<compile_context>
chip_gen: v7x
topology: tpu7x:2x2x1
jax: 0.10.2.dev20260603
libtpu: 0.0.44.dev20260713+nightly
codegen_flags: <defaults>
</compile_context>

<pallas_src>
import functools
import math

import jax
import jax.numpy as jnp
from jax import lax
from jax.experimental import pallas as pl
from jax.experimental.pallas import tpu as pltpu
from jax.experimental.pallas import tpu_sc as plsc

VOCAB = 100000
D_EMB = 300
D_PAD = 304
SCALE = math.sqrt(float(D_EMB))

NC, NS = 2, 16
NW = NC * NS
NB = 2
NRB = 4
V_BLK = 512


def _emb_body(x_hbm, table_hbm, out_hbm, idx_v, rows0, rows1, rows2, rows3,
              g0, g1, g2, g3, w0, w1, w2, w3, nch, L):
  wid = lax.axis_index("s") * NC + lax.axis_index("c")
  pltpu.sync_copy(x_hbm.at[wid], idx_v)

  rows_bufs = (rows0, rows1, rows2, rows3)
  g_sems = (g0, g1, g2, g3)
  w_sems = (w0, w1, w2, w3)

  def out_box(i):
    return out_hbm.at[pl.ds((wid * nch + i) * NB, NB)]

  def start_gather(i, db):
    for m in range(NB):
      pltpu.async_copy(table_hbm.at[idx_v.at[i, m]], rows_bufs[db].at[m],
                       g_sems[db])

  def wait_gather(i, db):
    for m in range(NB):
      pltpu.make_async_copy(table_hbm.at[idx_v.at[i, m]],
                            rows_bufs[db].at[m], g_sems[db]).wait()

  start_gather(0, 0)

  def quad(j, _):
    for db in range(NRB):
      i = NRB * j + db
      rows_v = rows_bufs[db]
      nb = (db + 1) % NRB

      @pl.when(i + 1 < nch)
      def _():
        @pl.when(i + 1 >= NRB)
        def _():
          pltpu.make_async_copy(rows_bufs[nb], out_box(i + 1 - NRB),
                                w_sems[nb]).wait()
        start_gather(i + 1, nb)

      wait_gather(i, db)
      pltpu.async_copy(rows_v, out_box(i), w_sems[db])
    return 0

  lax.fori_loop(0, nch // NRB, quad, 0)
  for db in range(NRB):
    pltpu.make_async_copy(rows_bufs[db], out_box(nch - NRB + db),
                          w_sems[db]).wait()


def _prep_body(tT_ref, out_ref):
  blk = tT_ref[...]
  xp = jnp.pad(blk, ((0, D_PAD - D_EMB), (0, 0)))
  out_ref[...] = jnp.transpose(xp, (1, 0)) * SCALE


def _prep_table(table):
  tT = table.T
  grid = (VOCAB + V_BLK - 1) // V_BLK
  return pl.pallas_call(
      _prep_body,
      grid=(grid,),
      in_specs=[pl.BlockSpec((D_EMB, V_BLK), lambda i: (0, i))],
      out_specs=pl.BlockSpec((V_BLK, D_PAD), lambda i: (i, 0)),
      out_shape=jax.ShapeDtypeStruct((VOCAB, D_PAD), jnp.float32),
  )(tT)


def kernel(x, table):
  B, L = x.shape
  assert B % (NW * NB) == 0
  nch = B // (NW * NB)
  assert nch % NRB == 0

  mesh = plsc.VectorSubcoreMesh(core_axis_name="c", subcore_axis_name="s")
  k = pl.kernel(
      functools.partial(_emb_body, nch=nch, L=L),
      out_type=jax.ShapeDtypeStruct((B, L, D_PAD), jnp.float32),
      mesh=mesh,
      compiler_params=pltpu.CompilerParams(
          use_tc_tiling_on_sc=False, needs_layout_passes=False),
      scratch_types=[
          pltpu.VMEM((nch, NB, L), jnp.int32),
          pltpu.VMEM((NB, L, D_PAD), jnp.float32),
          pltpu.VMEM((NB, L, D_PAD), jnp.float32),
          pltpu.VMEM((NB, L, D_PAD), jnp.float32),
          pltpu.VMEM((NB, L, D_PAD), jnp.float32),
          pltpu.SemaphoreType.DMA,
          pltpu.SemaphoreType.DMA,
          pltpu.SemaphoreType.DMA,
          pltpu.SemaphoreType.DMA,
          pltpu.SemaphoreType.DMA,
          pltpu.SemaphoreType.DMA,
          pltpu.SemaphoreType.DMA,
          pltpu.SemaphoreType.DMA,
      ],
  )
  x2 = x.reshape(NW, nch, NB, L)
  table_pad = _prep_table(table)
  out = k(x2, table_pad)
  return out[:, :, :D_EMB]

# --- scband reference (transcript-rebuilt; emitter-appended) ---
"""Pipeline reference for scband-embeddings-51719996178770 (READ-ONLY COPY).

The authoritative reference and input builder live on the scoring server;
editing this copy changes nothing except your own understanding.
"""

import jax, jax.numpy as jnp
import numpy as np
import math

VOCAB = 100000
D_EMB = 300
B, L = 4096, 50

def setup_inputs(seed: int = 0) -> dict:
    key = jax.random.key(seed)
    k1, k2 = jax.random.split(key)
    x = jax.random.randint(k1, (B, L), 0, VOCAB, dtype=jnp.int32)
    # learned embedding table (stands in for GloVe-initialized nn.Embedding weight)
    table = jax.random.normal(k2, (VOCAB, D_EMB), dtype=jnp.float32)
    # padding_idx=0 row is conventionally zero at init
    table = table.at[0].set(0.0)
    return {"x": x, "table": table}

def reference(x, table):
    # Embeddings.forward: lut(x) * sqrt(d_embedding); EMBEDDING_DIM == HIDDEN_DIM
    # so the optional Linear transform branch is never taken.
    result = jnp.take(table, x, axis=0) * jnp.float32(math.sqrt(D_EMB))
    return result

if __name__ == "__main__":
    import jax
    _d = setup_inputs()
    print(jax.jit(kernel)(*tuple(_d.values())))

</pallas_src>

<mosaic_0001>
#map = affine_map<(d0, d1) -> (0, 0, 0, 0)>
#map1 = affine_map<(d0, d1) -> (0, 0)>
#map2 = affine_map<(d0, d1) -> (0, 0, 0)>
module attributes {stable_mosaic.version = 14 : i64} {
  func.func @_emb_body(%arg0: i32, %arg1: i32, %arg2: memref<32x64x2x50xi32, #tpu.memory_space<hbm>>, %arg3: memref<100000x304xf32, #tpu.memory_space<hbm>>, %arg4: memref<4096x50x304xf32, #tpu.memory_space<hbm>>, %arg5: memref<64x2x50xi32, #tpu.memory_space<vmem>>, %arg6: memref<2x50x304xf32, #tpu.memory_space<vmem>>, %arg7: memref<2x50x304xf32, #tpu.memory_space<vmem>>, %arg8: memref<2x50x304xf32, #tpu.memory_space<vmem>>, %arg9: memref<2x50x304xf32, #tpu.memory_space<vmem>>, %arg10: memref<!tpu.dma_semaphore, #tpu.memory_space<semaphore_mem>>, %arg11: memref<!tpu.dma_semaphore, #tpu.memory_space<semaphore_mem>>, %arg12: memref<!tpu.dma_semaphore, #tpu.memory_space<semaphore_mem>>, %arg13: memref<!tpu.dma_semaphore, #tpu.memory_space<semaphore_mem>>, %arg14: memref<!tpu.dma_semaphore, #tpu.memory_space<semaphore_mem>>, %arg15: memref<!tpu.dma_semaphore, #tpu.memory_space<semaphore_mem>>, %arg16: memref<!tpu.dma_semaphore, #tpu.memory_space<semaphore_mem>>, %arg17: memref<!tpu.dma_semaphore, #tpu.memory_space<semaphore_mem>>) attributes {dimension_semantics = [#tpu.dimension_semantics<core_parallel>, #tpu.dimension_semantics<subcore_parallel>], iteration_bounds = array<i64: 2, 16>, scalar_prefetch = 0 : i64, scratch_operands = 13 : i64, tpu.core_type = #tpu.core_type<sc_vector_subcore>, window_params = [{transform_indices = #map}, {transform_indices = #map1}, {transform_indices = #map2}]} {
    %mul3A = arith.constant 2 : i32
    %mul3A_0 = arith.muli %arg1, %mul3A : i32
    %add3A = arith.addi %mul3A_0, %arg0 : i32
    "tpu.region"() ({
      %run_scoped3A = tpu.sem_alloc : memref<!tpu.dma_semaphore, #tpu.memory_space<semaphore_mem>>
      %dma_start3A_79 = arith.constant 0 : i32
      %dma_start3A_80 = arith.constant 0 : i32
      %dma_start3A_81 = arith.constant 0 : i32
      %dma_start3A_82 = tpu.memref_slice %arg2[%add3A, %dma_start3A_79, %dma_start3A_80, %dma_start3A_81] : memref<32x64x2x50xi32, #tpu.memory_space<hbm>> -> memref<1x64x2x50xi32, #tpu.memory_space<hbm>>
      %dma_start3A_83 = tpu.memref_squeeze %dma_start3A_82 : memref<1x64x2x50xi32, #tpu.memory_space<hbm>> -> memref<64x2x50xi32, #tpu.memory_space<hbm>>
      %dma_start3A_84 = arith.constant 0 : i32
      %dma_start3A_85 = arith.constant 0 : i32
      %dma_start3A_86 = arith.constant 0 : i32
      %dma_start3A_87 = tpu.memref_slice %arg2[%add3A, %dma_start3A_84, %dma_start3A_85, %dma_start3A_86] : memref<32x64x2x50xi32, #tpu.memory_space<hbm>> -> memref<1x64x2x50xi32, #tpu.memory_space<hbm>>
      %dma_start3A_88 = tpu.memref_squeeze %dma_start3A_87 : memref<1x64x2x50xi32, #tpu.memory_space<hbm>> -> memref<64x2x50xi32, #tpu.memory_space<hbm>>
      tpu.enqueue_dma source(%dma_start3A_88 : memref<64x2x50xi32, #tpu.memory_space<hbm>>) target(%arg5 : memref<64x2x50xi32, #tpu.memory_space<vmem>>) target_semaphore(%run_scoped3A : memref<!tpu.dma_semaphore, #tpu.memory_space<semaphore_mem>>)
      %dma_wait3A_89 = arith.constant 0 : i32
      %dma_wait3A_90 = arith.constant 0 : i32
      %dma_wait3A_91 = arith.constant 0 : i32
      %dma_wait3A_92 = tpu.memref_slice %arg2[%add3A, %dma_wait3A_89, %dma_wait3A_90, %dma_wait3A_91] : memref<32x64x2x50xi32, #tpu.memory_space<hbm>> -> memref<1x64x2x50xi32, #tpu.memory_space<hbm>>
      %dma_wait3A_93 = tpu.memref_squeeze %dma_wait3A_92 : memref<1x64x2x50xi32, #tpu.memory_space<hbm>> -> memref<64x2x50xi32, #tpu.memory_space<hbm>>
      %dma_wait3A_94 = arith.constant 0 : i32
      %dma_wait3A_95 = arith.constant 0 : i32
      %dma_wait3A_96 = arith.constant 0 : i32
      %dma_wait3A_97 = tpu.memref_slice %arg2[%add3A, %dma_wait3A_94, %dma_wait3A_95, %dma_wait3A_96] : memref<32x64x2x50xi32, #tpu.memory_space<hbm>> -> memref<1x64x2x50xi32, #tpu.memory_space<hbm>>
      %dma_wait3A_98 = tpu.memref_squeeze %dma_wait3A_97 : memref<1x64x2x50xi32, #tpu.memory_space<hbm>> -> memref<64x2x50xi32, #tpu.memory_space<hbm>>
      tpu.wait_dma2 semaphore(%run_scoped3A : memref<!tpu.dma_semaphore, #tpu.memory_space<semaphore_mem>>) src(%dma_wait3A_98 : memref<64x2x50xi32, #tpu.memory_space<hbm>>) dst(%arg5 : memref<64x2x50xi32, #tpu.memory_space<vmem>>)
      tpu.yield
    }) : () -> ()
    %dma_start3A = arith.constant 0 : i32
    %dma_start3A_1 = arith.constant 0 : i32
    %dma_start3A_2 = arith.constant 0 : i32
    %dma_start3A_3 = arith.constant 0 : i32
    %dma_start3A_4 = arith.constant 0 : i32
    %dma_start3A_5 = tpu.memref_slice %arg6[%dma_start3A_2, %dma_start3A_3, %dma_start3A_4] : memref<2x50x304xf32, #tpu.memory_space<vmem>> -> memref<1x50x304xf32, #tpu.memory_space<vmem>>
    %dma_start3A_6 = tpu.memref_squeeze %dma_start3A_5 : memref<1x50x304xf32, #tpu.memory_space<vmem>> -> memref<50x304xf32, #tpu.memory_space<vmem>>
    %dma_start3A_7 = arith.constant 0 : i32
    %dma_start3A_8 = tpu.memref_slice %arg5[%dma_start3A, %dma_start3A_1, %dma_start3A_7] : memref<64x2x50xi32, #tpu.memory_space<vmem>> -> memref<1x1x50xi32, #tpu.memory_space<vmem>>
    %dma_start3A_9 = tpu.memref_squeeze %dma_start3A_8 : memref<1x1x50xi32, #tpu.memory_space<vmem>> -> memref<50xi32, #tpu.memory_space<vmem>>
    %dma_start3A_10 = arith.constant 0 : i32
    %dma_start3A_11 = arith.constant 0 : i32
    %dma_start3A_12 = tpu.memref_slice %arg3[%dma_start3A_10, %dma_start3A_11] : memref<100000x304xf32, #tpu.memory_space<hbm>> -> memref<100000x304xf32, #tpu.memory_space<hbm>>
    tpu.enqueue_indirect_dma source(%dma_start3A_12 : memref<100000x304xf32, #tpu.memory_space<hbm>>) target(%dma_start3A_6 : memref<50x304xf32, #tpu.memory_space<vmem>>) offsets(%dma_start3A_9 : memref<50xi32, #tpu.memory_space<vmem>>) semaphore(%arg10 : memref<!tpu.dma_semaphore, #tpu.memory_space<semaphore_mem>>)
    %dma_start3A_13 = arith.constant 0 : i32
    %dma_start3A_14 = arith.constant 1 : i32
    %dma_start3A_15 = arith.constant 1 : i32
    %dma_start3A_16 = arith.constant 0 : i32
    %dma_start3A_17 = arith.constant 0 : i32
    %dma_start3A_18 = tpu.memref_slice %arg6[%dma_start3A_15, %dma_start3A_16, %dma_start3A_17] : memref<2x50x304xf32, #tpu.memory_space<vmem>> -> memref<1x50x304xf32, #tpu.memory_space<vmem>>
    %dma_start3A_19 = tpu.memref_squeeze %dma_start3A_18 : memref<1x50x304xf32, #tpu.memory_space<vmem>> -> memref<50x304xf32, #tpu.memory_space<vmem>>
    %dma_start3A_20 = arith.constant 0 : i32
    %dma_start3A_21 = tpu.memref_slice %arg5[%dma_start3A_13, %dma_start3A_14, %dma_start3A_20] : memref<64x2x50xi32, #tpu.memory_space<vmem>> -> memref<1x1x50xi32, #tpu.memory_space<vmem>>
    %dma_start3A_22 = tpu.memref_squeeze %dma_start3A_21 : memref<1x1x50xi32, #tpu.memory_space<vmem>> -> memref<50xi32, #tpu.memory_space<vmem>>
    %dma_start3A_23 = arith.constant 0 : i32
    %dma_start3A_24 = arith.constant 0 : i32
    %dma_start3A_25 = tpu.memref_slice %arg3[%dma_start3A_23, %dma_start3A_24] : memref<100000x304xf32, #tpu.memory_space<hbm>> -> memref<100000x304xf32, #tpu.memory_space<hbm>>
    tpu.enqueue_indirect_dma source(%dma_start3A_25 : memref<100000x304xf32, #tpu.memory_space<hbm>>) target(%dma_start3A_19 : memref<50x304xf32, #tpu.memory_space<vmem>>) offsets(%dma_start3A_22 : memref<50xi32, #tpu.memory_space<vmem>>) semaphore(%arg10 : memref<!tpu.dma_semaphore, #tpu.memory_space<semaphore_mem>>)
    %scan3A = arith.constant 0 : i32
    %scan3A_26 = arith.constant 0 : i32
    %scan3A_27 = arith.constant 16 : i32
    %scan3A_28 = arith.addi %scan3A_26, %scan3A_27 : i32
    %scan3A_29 = arith.constant 1 : i32
    %scan3A_30 = scf.for %scan3A_79 = %scan3A_26 to %scan3A_28 step %scan3A_29 iter_args(%scan3A_80 = %scan3A) -> (i32)  : i32 {
      %mul3A_81 = arith.constant 4 : i32
      %mul3A_82 = arith.muli %mul3A_81, %scan3A_79 : i32
      %add3A_83 = arith.constant 0 : i32
      %add3A_84 = arith.addi %mul3A_82, %add3A_83 : i32
      %add3A_85 = arith.constant 1 : i32
      %add3A_86 = arith.addi %add3A_84, %add3A_85 : i32
      %lt3A = arith.constant 64 : i32
      %lt3A_87 = arith.cmpi slt, %add3A_86, %lt3A : i32
      %convert_element_type3A = arith.extui %lt3A_87 : i1 to i32
      %cond3A = arith.constant 0 : i32
      %cond3A_88 = arith.cmpi ne, %convert_element_type3A, %cond3A : i32
      scf.if %cond3A_88 {
        %add3A_263 = arith.constant 1 : i32
        %add3A_264 = arith.addi %add3A_84, %add3A_263 : i32
        %ge3A = arith.constant 4 : i32
        %ge3A_265 = arith.cmpi sge, %add3A_264, %ge3A : i32
        %convert_element_type3A_266 = arith.extui %ge3A_265 : i1 to i32
        %cond3A_267 = arith.constant 0 : i32
        %cond3A_268 = arith.cmpi ne, %convert_element_type3A_266, %cond3A_267 : i32
        scf.if %cond3A_268 {
          %add3A_295 = arith.constant 1 : i32
          %add3A_296 = arith.addi %add3A_84, %add3A_295 : i32
          %sub3A = arith.constant 4 : i32
          %sub3A_297 = arith.subi %add3A_296, %sub3A : i32
          %mul3A_298 = arith.constant 64 : i32
          %mul3A_299 = arith.muli %add3A, %mul3A_298 : i32
          %add3A_300 = arith.addi %mul3A_299, %sub3A_297 : i32
          %mul3A_301 = arith.constant 2 : i32
          %mul3A_302 = arith.muli %add3A_300, %mul3A_301 : i32
          %dma_wait3A_303 = arith.constant 0 : i32
          %dma_wait3A_304 = arith.constant 0 : i32
          %dma_wait3A_305 = tpu.memref_slice %arg4[%mul3A_302, %dma_wait3A_303, %dma_wait3A_304] : memref<4096x50x304xf32, #tpu.memory_space<hbm>> -> memref<2x50x304xf32, #tpu.memory_space<hbm>>
          %dma_wait3A_306 = arith.constant 0 : i32
          %dma_wait3A_307 = arith.constant 0 : i32
          %dma_wait3A_308 = tpu.memref_slice %arg4[%mul3A_302, %dma_wait3A_306, %dma_wait3A_307] : memref<4096x50x304xf32, #tpu.memory_space<hbm>> -> memref<2x50x304xf32, #tpu.memory_space<hbm>>
          tpu.wait_dma2 semaphore(%arg15 : memref<!tpu.dma_semaphore, #tpu.memory_space<semaphore_mem>>) src(%arg7 : memref<2x50x304xf32, #tpu.memory_space<vmem>>) dst(%dma_wait3A_308 : memref<2x50x304xf32, #tpu.memory_space<hbm>>)
        } else {
        }
        %add3A_269 = arith.constant 1 : i32
        %add3A_270 = arith.addi %add3A_84, %add3A_269 : i32
        %dma_start3A_271 = arith.constant 0 : i32
        %dma_start3A_272 = arith.constant 0 : i32
        %dma_start3A_273 = arith.constant 0 : i32
        %dma_start3A_274 = arith.constant 0 : i32
        %dma_start3A_275 = tpu.memref_slice %arg7[%dma_start3A_272, %dma_start3A_273, %dma_start3A_274] : memref<2x50x304xf32, #tpu.memory_space<vmem>> -> memref<1x50x304xf32, #tpu.memory_space<vmem>>
        %dma_start3A_276 = tpu.memref_squeeze %dma_start3A_275 : memref<1x50x304xf32, #tpu.memory_space<vmem>> -> memref<50x304xf32, #tpu.memory_space<vmem>>
        %dma_start3A_277 = arith.constant 0 : i32
        %dma_start3A_278 = tpu.memref_slice %arg5[%add3A_270, %dma_start3A_271, %dma_start3A_277] : memref<64x2x50xi32, #tpu.memory_space<vmem>> -> memref<1x1x50xi32, #tpu.memory_space<vmem>>
        %dma_start3A_279 = tpu.memref_squeeze %dma_start3A_278 : memref<1x1x50xi32, #tpu.memory_space<vmem>> -> memref<50xi32, #tpu.memory_space<vmem>>
        %dma_start3A_280 = arith.constant 0 : i32
        %dma_start3A_281 = arith.constant 0 : i32
        %dma_start3A_282 = tpu.memref_slice %arg3[%dma_start3A_280, %dma_start3A_281] : memref<100000x304xf32, #tpu.memory_space<hbm>> -> memref<100000x304xf32, #tpu.memory_space<hbm>>
        tpu.enqueue_indirect_dma source(%dma_start3A_282 : memref<100000x304xf32, #tpu.memory_space<hbm>>) target(%dma_start3A_276 : memref<50x304xf32, #tpu.memory_space<vmem>>) offsets(%dma_start3A_279 : memref<50xi32, #tpu.memory_space<vmem>>) semaphore(%arg11 : memref<!tpu.dma_semaphore, #tpu.memory_space<semaphore_mem>>)
        %dma_start3A_283 = arith.constant 1 : i32
        %dma_start3A_284 = arith.constant 1 : i32
        %dma_start3A_285 = arith.constant 0 : i32
        %dma_start3A_286 = arith.constant 0 : i32
        %dma_start3A_287 = tpu.memref_slice %arg7[%dma_start3A_284, %dma_start3A_285, %dma_start3A_286] : memref<2x50x304xf32, #tpu.memory_space<vmem>> -> memref<1x50x304xf32, #tpu.memory_space<vmem>>
        %dma_start3A_288 = tpu.memref_squeeze %dma_start3A_287 : memref<1x50x304xf32, #tpu.memory_space<vmem>> -> memref<50x304xf32, #tpu.memory_space<vmem>>
        %dma_start3A_289 = arith.constant 0 : i32
        %dma_start3A_290 = tpu.memref_slice %arg5[%add3A_270, %dma_start3A_283, %dma_start3A_289] : memref<64x2x50xi32, #tpu.memory_space<vmem>> -> memref<1x1x50xi32, #tpu.memory_space<vmem>>
        %dma_start3A_291 = tpu.memref_squeeze %dma_start3A_290 : memref<1x1x50xi32, #tpu.memory_space<vmem>> -> memref<50xi32, #tpu.memory_space<vmem>>
        %dma_start3A_292 = arith.constant 0 : i32
        %dma_start3A_293 = arith.constant 0 : i32
        %dma_start3A_294 = tpu.memref_slice %arg3[%dma_start3A_292, %dma_start3A_293] : memref<100000x304xf32, #tpu.memory_space<hbm>> -> memref<100000x304xf32, #tpu.memory_space<hbm>>
        tpu.enqueue_indirect_dma source(%dma_start3A_294 : memref<100000x304xf32, #tpu.memory_space<hbm>>) target(%dma_start3A_288 : memref<50x304xf32, #tpu.memory_space<vmem>>) offsets(%dma_start3A_291 : memref<50xi32, #tpu.memory_space<vmem>>) semaphore(%arg11 : memref<!tpu.dma_semaphore, #tpu.memory_space<semaphore_mem>>)
      } else {
      }
      %dma_wait3A_89 = arith.constant 0 : i32
      %dma_wait3A_90 = arith.constant 0 : i32
      %dma_wait3A_91 = arith.constant 0 : i32
      %dma_wait3A_92 = arith.constant 0 : i32
      %dma_wait3A_93 = tpu.memref_slice %arg6[%dma_wait3A_90, %dma_wait3A_91, %dma_wait3A_92] : memref<2x50x304xf32, #tpu.memory_space<vmem>> -> memref<1x50x304xf32, #tpu.memory_space<vmem>>
      %dma_wait3A_94 = tpu.memref_squeeze %dma_wait3A_93 : memref<1x50x304xf32, #tpu.memory_space<vmem>> -> memref<50x304xf32, #tpu.memory_space<vmem>>
      %dma_wait3A_95 = arith.constant 0 : i32
      %dma_wait3A_96 = tpu.memref_slice %arg5[%add3A_84, %dma_wait3A_89, %dma_wait3A_95] : memref<64x2x50xi32, #tpu.memory_space<vmem>> -> memref<1x1x50xi32, #tpu.memory_space<vmem>>
      %dma_wait3A_97 = tpu.memref_squeeze %dma_wait3A_96 : memref<1x1x50xi32, #tpu.memory_space<vmem>> -> memref<50xi32, #tpu.memory_space<vmem>>
      %dma_wait3A_98 = arith.constant 0 : i32
      %dma_wait3A_99 = arith.constant 0 : i32
      %dma_wait3A_100 = tpu.memref_slice %arg3[%dma_wait3A_98, %dma_wait3A_99] : memref<100000x304xf32, #tpu.memory_space<hbm>> -> memref<100000x304xf32, #tpu.memory_space<hbm>>
      tpu.wait_indirect_dma semaphore(%arg10 : memref<!tpu.dma_semaphore, #tpu.memory_space<semaphore_mem>>) src(%dma_wait3A_100 : memref<100000x304xf32, #tpu.memory_space<hbm>>) dst(%dma_wait3A_94 : memref<50x304xf32, #tpu.memory_space<vmem>>)
      %dma_wait3A_101 = arith.constant 1 : i32
      %dma_wait3A_102 = arith.constant 1 : i32
      %dma_wait3A_103 = arith.constant 0 : i32
      %dma_wait3A_104 = arith.constant 0 : i32
      %dma_wait3A_105 = tpu.memref_slice %arg6[%dma_wait3A_102, %dma_wait3A_103, %dma_wait3A_104] : memref<2x50x304xf32, #tpu.memory_space<vmem>> -> memref<1x50x304xf32, #tpu.memory_space<vmem>>
      %dma_wait3A_106 = tpu.memref_squeeze %dma_wait3A_105 : memref<1x50x304xf32, #tpu.memory_space<vmem>> -> memref<50x304xf32, #tpu.memory_space<vmem>>
      %dma_wait3A_107 = arith.constant 0 : i32
      %dma_wait3A_108 = tpu.memref_slice %arg5[%add3A_84, %dma_wait3A_101, %dma_wait3A_107] : memref<64x2x50xi32, #tpu.memory_space<vmem>> -> memref<1x1x50xi32, #tpu.memory_space<vmem>>
      %dma_wait3A_109 = tpu.memref_squeeze %dma_wait3A_108 : memref<1x1x50xi32, #tpu.memory_space<vmem>> -> memref<50xi32, #tpu.memory_space<vmem>>
      %dma_wait3A_110 = arith.constant 0 : i32
      %dma_wait3A_111 = arith.constant 0 : i32
      %dma_wait3A_112 = tpu.memref_slice %arg3[%dma_wait3A_110, %dma_wait3A_111] : memref<100000x304xf32, #tpu.memory_space<hbm>> -> memref<100000x304xf32, #tpu.memory_space<hbm>>
      tpu.wait_indirect_dma semaphore(%arg10 : memref<!tpu.dma_semaphore, #tpu.memory_space<semaphore_mem>>) src(%dma_wait3A_112 : memref<100000x304xf32, #tpu.memory_space<hbm>>) dst(%dma_wait3A_106 : memref<50x304xf32, #tpu.memory_space<vmem>>)
      %mul3A_113 = arith.constant 64 : i32
      %mul3A_114 = arith.muli %add3A, %mul3A_113 : i32
      %add3A_115 = arith.addi %mul3A_114, %add3A_84 : i32
      %mul3A_116 = arith.constant 2 : i32
      %mul3A_117 = arith.muli %add3A_115, %mul3A_116 : i32
      %dma_start3A_118 = arith.constant 0 : i32
      %dma_start3A_119 = arith.constant 0 : i32
      %dma_start3A_120 = tpu.memref_slice %arg4[%mul3A_117, %dma_start3A_118, %dma_start3A_119] : memref<4096x50x304xf32, #tpu.memory_space<hbm>> -> memref<2x50x304xf32, #tpu.memory_space<hbm>>
      %dma_start3A_121 = arith.constant 0 : i32
      %dma_start3A_122 = arith.constant 0 : i32
      %dma_start3A_123 = tpu.memref_slice %arg4[%mul3A_117, %dma_start3A_121, %dma_start3A_122] : memref<4096x50x304xf32, #tpu.memory_space<hbm>> -> memref<2x50x304xf32, #tpu.memory_space<hbm>>
      tpu.enqueue_dma source(%arg6 : memref<2x50x304xf32, #tpu.memory_space<vmem>>) target(%dma_start3A_123 : memref<2x50x304xf32, #tpu.memory_space<hbm>>) target_semaphore(%arg14 : memref<!tpu.dma_semaphore, #tpu.memory_space<semaphore_mem>>)
      %mul3A_124 = arith.constant 4 : i32
      %mul3A_125 = arith.muli %mul3A_124, %scan3A_79 : i32
      %add3A_126 = arith.constant 1 : i32
      %add3A_127 = arith.addi %mul3A_125, %add3A_126 : i32
      %add3A_128 = arith.constant 1 : i32
      %add3A_129 = arith.addi %add3A_127, %add3A_128 : i32
      %lt3A_130 = arith.constant 64 : i32
      %lt3A_131 = arith.cmpi slt, %add3A_129, %lt3A_130 : i32
      %convert_element_type3A_132 = arith.extui %lt3A_131 : i1 to i32
      %cond3A_133 = arith.constant 0 : i32
      %cond3A_134 = arith.cmpi ne, %convert_element_type3A_132, %cond3A_133 : i32
      scf.if %cond3A_134 {
        %add3A_263 = arith.constant 1 : i32
        %add3A_264 = arith.addi %add3A_127, %add3A_263 : i32
        %ge3A = arith.constant 4 : i32
        %ge3A_265 = arith.cmpi sge, %add3A_264, %ge3A : i32
        %convert_element_type3A_266 = arith.extui %ge3A_265 : i1 to i32
        %cond3A_267 = arith.constant 0 : i32
        %cond3A_268 = arith.cmpi ne, %convert_element_type3A_266, %cond3A_267 : i32
        scf.if %cond3A_268 {
          %add3A_295 = arith.constant 1 : i32
          %add3A_296 = arith.addi %add3A_127, %add3A_295 : i32
          %sub3A = arith.constant 4 : i32
          %sub3A_297 = arith.subi %add3A_296, %sub3A : i32
          %mul3A_298 = arith.constant 64 : i32
          %mul3A_299 = arith.muli %add3A, %mul3A_298 : i32
          %add3A_300 = arith.addi %mul3A_299, %sub3A_297 : i32
          %mul3A_301 = arith.constant 2 : i32
          %mul3A_302 = arith.muli %add3A_300, %mul3A_301 : i32
          %dma_wait3A_303 = arith.constant 0 : i32
          %dma_wait3A_304 = arith.constant 0 : i32
          %dma_wait3A_305 = tpu.memref_slice %arg4[%mul3A_302, %dma_wait3A_303, %dma_wait3A_304] : memref<4096x50x304xf32, #tpu.memory_space<hbm>> -> memref<2x50x304xf32, #tpu.memory_space<hbm>>
          %dma_wait3A_306 = arith.constant 0 : i32
          %dma_wait3A_307 = arith.constant 0 : i32
          %dma_wait3A_308 = tpu.memref_slice %arg4[%mul3A_302, %dma_wait3A_306, %dma_wait3A_307] : memref<4096x50x304xf32, #tpu.memory_space<hbm>> -> memref<2x50x304xf32, #tpu.memory_space<hbm>>
          tpu.wait_dma2 semaphore(%arg16 : memref<!tpu.dma_semaphore, #tpu.memory_space<semaphore_mem>>) src(%arg8 : memref<2x50x304xf32, #tpu.memory_space<vmem>>) dst(%dma_wait3A_308 : memref<2x50x304xf32, #tpu.memory_space<hbm>>)
        } else {
        }
        %add3A_269 = arith.constant 1 : i32
        %add3A_270 = arith.addi %add3A_127, %add3A_269 : i32
        %dma_start3A_271 = arith.constant 0 : i32
        %dma_start3A_272 = arith.constant 0 : i32
        %dma_start3A_273 = arith.constant 0 : i32
        %dma_start3A_274 = arith.constant 0 : i32
        %dma_start3A_275 = tpu.memref_slice %arg8[%dma_start3A_272, %dma_start3A_273, %dma_start3A_274] : memref<2x50x304xf32, #tpu.memory_space<vmem>> -> memref<1x50x304xf32, #tpu.memory_space<vmem>>
        %dma_start3A_276 = tpu.memref_squeeze %dma_start3A_275 : memref<1x50x304xf32, #tpu.memory_space<vmem>> -> memref<50x304xf32, #tpu.memory_space<vmem>>
        %dma_start3A_277 = arith.constant 0 : i32
        %dma_start3A_278 = tpu.memref_slice %arg5[%add3A_270, %dma_start3A_271, %dma_start3A_277] : memref<64x2x50xi32, #tpu.memory_space<vmem>> -> memref<1x1x50xi32, #tpu.memory_space<vmem>>
        %dma_start3A_279 = tpu.memref_squeeze %dma_start3A_278 : memref<1x1x50xi32, #tpu.memory_space<vmem>> -> memref<50xi32, #tpu.memory_space<vmem>>
        %dma_start3A_280 = arith.constant 0 : i32
        %dma_start3A_281 = arith.constant 0 : i32
        %dma_start3A_282 = tpu.memref_slice %arg3[%dma_start3A_280, %dma_start3A_281] : memref<100000x304xf32, #tpu.memory_space<hbm>> -> memref<100000x304xf32, #tpu.memory_space<hbm>>
        tpu.enqueue_indirect_dma source(%dma_start3A_282 : memref<100000x304xf32, #tpu.memory_space<hbm>>) target(%dma_start3A_276 : memref<50x304xf32, #tpu.memory_space<vmem>>) offsets(%dma_start3A_279 : memref<50xi32, #tpu.memory_space<vmem>>) semaphore(%arg12 : memref<!tpu.dma_semaphore, #tpu.memory_space<semaphore_mem>>)
        %dma_start3A_283 = arith.constant 1 : i32
        %dma_start3A_284 = arith.constant 1 : i32
        %dma_start3A_285 = arith.constant 0 : i32
        %dma_start3A_286 = arith.constant 0 : i32
        %dma_start3A_287 = tpu.memref_slice %arg8[%dma_start3A_284, %dma_start3A_285, %dma_start3A_286] : memref<2x50x304xf32, #tpu.memory_space<vmem>> -> memref<1x50x304xf32, #tpu.memory_space<vmem>>
        %dma_start3A_288 = tpu.memref_squeeze %dma_start3A_287 : memref<1x50x304xf32, #tpu.memory_space<vmem>> -> memref<50x304xf32, #tpu.memory_space<vmem>>
        %dma_start3A_289 = arith.constant 0 : i32
        %dma_start3A_290 = tpu.memref_slice %arg5[%add3A_270, %dma_start3A_283, %dma_start3A_289] : memref<64x2x50xi32, #tpu.memory_space<vmem>> -> memref<1x1x50xi32, #tpu.memory_space<vmem>>
        %dma_start3A_291 = tpu.memref_squeeze %dma_start3A_290 : memref<1x1x50xi32, #tpu.memory_space<vmem>> -> memref<50xi32, #tpu.memory_space<vmem>>
        %dma_start3A_292 = arith.constant 0 : i32
        %dma_start3A_293 = arith.constant 0 : i32
        %dma_start3A_294 = tpu.memref_slice %arg3[%dma_start3A_292, %dma_start3A_293] : memref<100000x304xf32, #tpu.memory_space<hbm>> -> memref<100000x304xf32, #tpu.memory_space<hbm>>
        tpu.enqueue_indirect_dma source(%dma_start3A_294 : memref<100000x304xf32, #tpu.memory_space<hbm>>) target(%dma_start3A_288 : memref<50x304xf32, #tpu.memory_space<vmem>>) offsets(%dma_start3A_291 : memref<50xi32, #tpu.memory_space<vmem>>) semaphore(%arg12 : memref<!tpu.dma_semaphore, #tpu.memory_space<semaphore_mem>>)
      } else {
      }
      %dma_wait3A_135 = arith.constant 0 : i32
      %dma_wait3A_136 = arith.constant 0 : i32
      %dma_wait3A_137 = arith.constant 0 : i32
      %dma_wait3A_138 = arith.constant 0 : i32
      %dma_wait3A_139 = tpu.memref_slice %arg7[%dma_wait3A_136, %dma_wait3A_137, %dma_wait3A_138] : memref<2x50x304xf32, #tpu.memory_space<vmem>> -> memref<1x50x304xf32, #tpu.memory_space<vmem>>
      %dma_wait3A_140 = tpu.memref_squeeze %dma_wait3A_139 : memref<1x50x304xf32, #tpu.memory_space<vmem>> -> memref<50x304xf32, #tpu.memory_space<vmem>>
      %dma_wait3A_141 = arith.constant 0 : i32
      %dma_wait3A_142 = tpu.memref_slice %arg5[%add3A_127, %dma_wait3A_135, %dma_wait3A_141] : memref<64x2x50xi32, #tpu.memory_space<vmem>> -> memref<1x1x50xi32, #tpu.memory_space<vmem>>
      %dma_wait3A_143 = tpu.memref_squeeze %dma_wait3A_142 : memref<1x1x50xi32, #tpu.memory_space<vmem>> -> memref<50xi32, #tpu.memory_space<vmem>>
      %dma_wait3A_144 = arith.constant 0 : i32
      %dma_wait3A_145 = arith.constant 0 : i32
      %dma_wait3A_146 = tpu.memref_slice %arg3[%dma_wait3A_144, %dma_wait3A_145] : memref<100000x304xf32, #tpu.memory_space<hbm>> -> memref<100000x304xf32, #tpu.memory_space<hbm>>
      tpu.wait_indirect_dma semaphore(%arg11 : memref<!tpu.dma_semaphore, #tpu.memory_space<semaphore_mem>>) src(%dma_wait3A_146 : memref<100000x304xf32, #tpu.memory_space<hbm>>) dst(%dma_wait3A_140 : memref<50x304xf32, #tpu.memory_space<vmem>>)
      %dma_wait3A_147 = arith.constant 1 : i32
      %dma_wait3A_148 = arith.constant 1 : i32
      %dma_wait3A_149 = arith.constant 0 : i32
      %dma_wait3A_150 = arith.constant 0 : i32
      %dma_wait3A_151 = tpu.memref_slice %arg7[%dma_wait3A_148, %dma_wait3A_149, %dma_wait3A_150] : memref<2x50x304xf32, #tpu.memory_space<vmem>> -> memref<1x50x304xf32, #tpu.memory_space<vmem>>
      %dma_wait3A_152 = tpu.memref_squeeze %dma_wait3A_151 : memref<1x50x304xf32, #tpu.memory_space<vmem>> -> memref<50x304xf32, #tpu.memory_space<vmem>>
      %dma_wait3A_153 = arith.constant 0 : i32
      %dma_wait3A_154 = tpu.memref_slice %arg5[%add3A_127, %dma_wait3A_147, %dma_wait3A_153] : memref<64x2x50xi32, #tpu.memory_space<vmem>> -> memref<1x1x50xi32, #tpu.memory_space<vmem>>
      %dma_wait3A_155 = tpu.memref_squeeze %dma_wait3A_154 : memref<1x1x50xi32, #tpu.memory_space<vmem>> -> memref<50xi32, #tpu.memory_space<vmem>>
      %dma_wait3A_156 = arith.constant 0 : i32
      %dma_wait3A_157 = arith.constant 0 : i32
      %dma_wait3A_158 = tpu.memref_slice %arg3[%dma_wait3A_156, %dma_wait3A_157] : memref<100000x304xf32, #tpu.memory_space<hbm>> -> memref<100000x304xf32, #tpu.memory_space<hbm>>
      tpu.wait_indirect_dma semaphore(%arg11 : memref<!tpu.dma_semaphore, #tpu.memory_space<semaphore_mem>>) src(%dma_wait3A_158 : memref<100000x304xf32, #tpu.memory_space<hbm>>) dst(%dma_wait3A_152 : memref<50x304xf32, #tpu.memory_space<vmem>>)
      %mul3A_159 = arith.constant 64 : i32
      %mul3A_160 = arith.muli %add3A, %mul3A_159 : i32
      %add3A_161 = arith.addi %mul3A_160, %add3A_127 : i32
      %mul3A_162 = arith.constant 2 : i32
      %mul3A_163 = arith.muli %add3A_161, %mul3A_162 : i32
      %dma_start3A_164 = arith.constant 0 : i32
      %dma_start3A_165 = arith.constant 0 : i32
      %dma_start3A_166 = tpu.memref_slice %arg4[%mul3A_163, %dma_start3A_164, %dma_start3A_165] : memref<4096x50x304xf32, #tpu.memory_space<hbm>> -> memref<2x50x304xf32, #tpu.memory_space<hbm>>
      %dma_start3A_167 = arith.constant 0 : i32
      %dma_start3A_168 = arith.constant 0 : i32
      %dma_start3A_169 = tpu.memref_slice %arg4[%mul3A_163, %dma_start3A_167, %dma_start3A_168] : memref<4096x50x304xf32, #tpu.memory_space<hbm>> -> memref<2x50x304xf32, #tpu.memory_space<hbm>>
      tpu.enqueue_dma source(%arg7 : memref<2x50x304xf32, #tpu.memory_space<vmem>>) target(%dma_start3A_169 : memref<2x50x304xf32, #tpu.memory_space<hbm>>) target_semaphore(%arg15 : memref<!tpu.dma_semaphore, #tpu.memory_space<semaphore_mem>>)
      %mul3A_170 = arith.constant 4 : i32
      %mul3A_171 = arith.muli %mul3A_170, %scan3A_79 : i32
      %add3A_172 = arith.constant 2 : i32
      %add3A_173 = arith.addi %mul3A_171, %add3A_172 : i32
      %add3A_174 = arith.constant 1 : i32
      %add3A_175 = arith.addi %add3A_173, %add3A_174 : i32
      %lt3A_176 = arith.constant 64 : i32
      %lt3A_177 = arith.cmpi slt, %add3A_175, %lt3A_176 : i32
      %convert_element_type3A_178 = arith.extui %lt3A_177 : i1 to i32
      %cond3A_179 = arith.constant 0 : i32
      %cond3A_180 = arith.cmpi ne, %convert_element_type3A_178, %cond3A_179 : i32
      scf.if %cond3A_180 {
        %add3A_263 = arith.constant 1 : i32
        %add3A_264 = arith.addi %add3A_173, %add3A_263 : i32
        %ge3A = arith.constant 4 : i32
        %ge3A_265 = arith.cmpi sge, %add3A_264, %ge3A : i32
        %convert_element_type3A_266 = arith.extui %ge3A_265 : i1 to i32
        %cond3A_267 = arith.constant 0 : i32
        %cond3A_268 = arith.cmpi ne, %convert_element_type3A_266, %cond3A_267 : i32
        scf.if %cond3A_268 {
          %add3A_295 = arith.constant 1 : i32
          %add3A_296 = arith.addi %add3A_173, %add3A_295 : i32
          %sub3A = arith.constant 4 : i32
          %sub3A_297 = arith.subi %add3A_296, %sub3A : i32
          %mul3A_298 = arith.constant 64 : i32
          %mul3A_299 = arith.muli %add3A, %mul3A_298 : i32
          %add3A_300 = arith.addi %mul3A_299, %sub3A_297 : i32
          %mul3A_301 = arith.constant 2 : i32
          %mul3A_302 = arith.muli %add3A_300, %mul3A_301 : i32
          %dma_wait3A_303 = arith.constant 0 : i32
          %dma_wait3A_304 = arith.constant 0 : i32
          %dma_wait3A_305 = tpu.memref_slice %arg4[%mul3A_302, %dma_wait3A_303, %dma_wait3A_304] : memref<4096x50x304xf32, #tpu.memory_space<hbm>> -> memref<2x50x304xf32, #tpu.memory_space<hbm>>
          %dma_wait3A_306 = arith.constant 0 : i32
          %dma_wait3A_307 = arith.constant 0 : i32
          %dma_wait3A_308 = tpu.memref_slice %arg4[%mul3A_302, %dma_wait3A_306, %dma_wait3A_307] : memref<4096x50x304xf32, #tpu.memory_space<hbm>> -> memref<2x50x304xf32, #tpu.memory_space<hbm>>
          tpu.wait_dma2 semaphore(%arg17 : memref<!tpu.dma_semaphore, #tpu.memory_space<semaphore_mem>>) src(%arg9 : memref<2x50x304xf32, #tpu.memory_space<vmem>>) dst(%dma_wait3A_308 : memref<2x50x304xf32, #tpu.memory_space<hbm>>)
        } else {
        }
        %add3A_269 = arith.constant 1 : i32
        %add3A_270 = arith.addi %add3A_173, %add3A_269 : i32
        %dma_start3A_271 = arith.constant 0 : i32
        %dma_start3A_272 = arith.constant 0 : i32
        %dma_start3A_273 = arith.constant 0 : i32
        %dma_start3A_274 = arith.constant 0 : i32
        %dma_start3A_275 = tpu.memref_slice %arg9[%dma_start3A_272, %dma_start3A_273, %dma_start3A_274] : memref<2x50x304xf32, #tpu.memory_space<vmem>> -> memref<1x50x304xf32, #tpu.memory_space<vmem>>
        %dma_start3A_276 = tpu.memref_squeeze %dma_start3A_275 : memref<1x50x304xf32, #tpu.memory_space<vmem>> -> memref<50x304xf32, #tpu.memory_space<vmem>>
        %dma_start3A_277 = arith.constant 0 : i32
        %dma_start3A_278 = tpu.memref_slice %arg5[%add3A_270, %dma_start3A_271, %dma_start3A_277] : memref<64x2x50xi32, #tpu.memory_space<vmem>> -> memref<1x1x50xi32, #tpu.memory_space<vmem>>
        %dma_start3A_279 = tpu.memref_squeeze %dma_start3A_278 : memref<1x1x50xi32, #tpu.memory_space<vmem>> -> memref<50xi32, #tpu.memory_space<vmem>>
        %dma_start3A_280 = arith.constant 0 : i32
        %dma_start3A_281 = arith.constant 0 : i32
        %dma_start3A_282 = tpu.memref_slice %arg3[%dma_start3A_280, %dma_start3A_281] : memref<100000x304xf32, #tpu.memory_space<hbm>> -> memref<100000x304xf32, #tpu.memory_space<hbm>>
        tpu.enqueue_indirect_dma source(%dma_start3A_282 : memref<100000x304xf32, #tpu.memory_space<hbm>>) target(%dma_start3A_276 : memref<50x304xf32, #tpu.memory_space<vmem>>) offsets(%dma_start3A_279 : memref<50xi32, #tpu.memory_space<vmem>>) semaphore(%arg13 : memref<!tpu.dma_semaphore, #tpu.memory_space<semaphore_mem>>)
        %dma_start3A_283 = arith.constant 1 : i32
        %dma_start3A_284 = arith.constant 1 : i32
        %dma_start3A_285 = arith.constant 0 : i32
        %dma_start3A_286 = arith.constant 0 : i32
        %dma_start3A_287 = tpu.memref_slice %arg9[%dma_start3A_284, %dma_start3A_285, %dma_start3A_286] : memref<2x50x304xf32, #tpu.memory_space<vmem>> -> memref<1x50x304xf32, #tpu.memory_space<vmem>>
        %dma_start3A_288 = tpu.memref_squeeze %dma_start3A_287 : memref<1x50x304xf32, #tpu.memory_space<vmem>> -> memref<50x304xf32, #tpu.memory_space<vmem>>
        %dma_start3A_289 = arith.constant 0 : i32
        %dma_start3A_290 = tpu.memref_slice %arg5[%add3A_270, %dma_start3A_283, %dma_start3A_289] : memref<64x2x50xi32, #tpu.memory_space<vmem>> -> memref<1x1x50xi32, #tpu.memory_space<vmem>>
        %dma_start3A_291 = tpu.memref_squeeze %dma_start3A_290 : memref<1x1x50xi32, #tpu.memory_space<vmem>> -> memref<50xi32, #tpu.memory_space<vmem>>
        %dma_start3A_292 = arith.constant 0 : i32
        %dma_start3A_293 = arith.constant 0 : i32
        %dma_start3A_294 = tpu.memref_slice %arg3[%dma_start3A_292, %dma_start3A_293] : memref<100000x304xf32, #tpu.memory_space<hbm>> -> memref<100000x304xf32, #tpu.memory_space<hbm>>
        tpu.enqueue_indirect_dma source(%dma_start3A_294 : memref<100000x304xf32, #tpu.memory_space<hbm>>) target(%dma_start3A_288 : memref<50x304xf32, #tpu.memory_space<vmem>>) offsets(%dma_start3A_291 : memref<50xi32, #tpu.memory_space<vmem>>) semaphore(%arg13 : memref<!tpu.dma_semaphore, #tpu.memory_space<semaphore_mem>>)
      } else {
      }
      %dma_wait3A_181 = arith.constant 0 : i32
      %dma_wait3A_182 = arith.constant 0 : i32
      %dma_wait3A_183 = arith.constant 0 : i32
      %dma_wait3A_184 = arith.constant 0 : i32
      %dma_wait3A_185 = tpu.memref_slice %arg8[%dma_wait3A_182, %dma_wait3A_183, %dma_wait3A_184] : memref<2x50x304xf32, #tpu.memory_space<vmem>> -> memref<1x50x304xf32, #tpu.memory_space<vmem>>
      %dma_wait3A_186 = tpu.memref_squeeze %dma_wait3A_185 : memref<1x50x304xf32, #tpu.memory_space<vmem>> -> memref<50x304xf32, #tpu.memory_space<vmem>>
      %dma_wait3A_187 = arith.constant 0 : i32
      %dma_wait3A_188 = tpu.memref_slice %arg5[%add3A_173, %dma_wait3A_181, %dma_wait3A_187] : memref<64x2x50xi32, #tpu.memory_space<vmem>> -> memref<1x1x50xi32, #tpu.memory_space<vmem>>
      %dma_wait3A_189 = tpu.memref_squeeze %dma_wait3A_188 : memref<1x1x50xi32, #tpu.memory_space<vmem>> -> memref<50xi32, #tpu.memory_space<vmem>>
      %dma_wait3A_190 = arith.constant 0 : i32
      %dma_wait3A_191 = arith.constant 0 : i32
      %dma_wait3A_192 = tpu.memref_slice %arg3[%dma_wait3A_190, %dma_wait3A_191] : memref<100000x304xf32, #tpu.memory_space<hbm>> -> memref<100000x304xf32, #tpu.memory_space<hbm>>
      tpu.wait_indirect_dma semaphore(%arg12 : memref<!tpu.dma_semaphore, #tpu.memory_space<semaphore_mem>>) src(%dma_wait3A_192 : memref<100000x304xf32, #tpu.memory_space<hbm>>) dst(%dma_wait3A_186 : memref<50x304xf32, #tpu.memory_space<vmem>>)
      %dma_wait3A_193 = arith.constant 1 : i32
      %dma_wait3A_194 = arith.constant 1 : i32
      %dma_wait3A_195 = arith.constant 0 : i32
      %dma_wait3A_196 = arith.constant 0 : i32
      %dma_wait3A_197 = tpu.memref_slice %arg8[%dma_wait3A_194, %dma_wait3A_195, %dma_wait3A_196] : memref<2x50x304xf32, #tpu.memory_space<vmem>> -> memref<1x50x304xf32, #tpu.memory_space<vmem>>
      %dma_wait3A_198 = tpu.memref_squeeze %dma_wait3A_197 : memref<1x50x304xf32, #tpu.memory_space<vmem>> -> memref<50x304xf32, #tpu.memory_space<vmem>>
      %dma_wait3A_199 = arith.constant 0 : i32
      %dma_wait3A_200 = tpu.memref_slice %arg5[%add3A_173, %dma_wait3A_193, %dma_wait3A_199] : memref<64x2x50xi32, #tpu.memory_space<vmem>> -> memref<1x1x50xi32, #tpu.memory_space<vmem>>
      %dma_wait3A_201 = tpu.memref_squeeze %dma_wait3A_200 : memref<1x1x50xi32, #tpu.memory_space<vmem>> -> memref<50xi32, #tpu.memory_space<vmem>>
      %dma_wait3A_202 = arith.constant 0 : i32
      %dma_wait3A_203 = arith.constant 0 : i32
      %dma_wait3A_204 = tpu.memref_slice %arg3[%dma_wait3A_202, %dma_wait3A_203] : memref<100000x304xf32, #tpu.memory_space<hbm>> -> memref<100000x304xf32, #tpu.memory_space<hbm>>
      tpu.wait_indirect_dma semaphore(%arg12 : memref<!tpu.dma_semaphore, #tpu.memory_space<semaphore_mem>>) src(%dma_wait3A_204 : memref<100000x304xf32, #tpu.memory_space<hbm>>) dst(%dma_wait3A_198 : memref<50x304xf32, #tpu.memory_space<vmem>>)
      %mul3A_205 = arith.constant 64 : i32
      %mul3A_206 = arith.muli %add3A, %mul3A_205 : i32
      %add3A_207 = arith.addi %mul3A_206, %add3A_173 : i32
      %mul3A_208 = arith.constant 2 : i32
      %mul3A_209 = arith.muli %add3A_207, %mul3A_208 : i32
      %dma_start3A_210 = arith.constant 0 : i32
      %dma_start3A_211 = arith.constant 0 : i32
      %dma_start3A_212 = tpu.memref_slice %arg4[%mul3A_209, %dma_start3A_210, %dma_start3A_211] : memref<4096x50x304xf32, #tpu.memory_space<hbm>> -> memref<2x50x304xf32, #tpu.memory_space<hbm>>
      %dma_start3A_213 = arith.constant 0 : i32
      %dma_start3A_214 = arith.constant 0 : i32
      %dma_start3A_215 = tpu.memref_slice %arg4[%mul3A_209, %dma_start3A_213, %dma_start3A_214] : memref<4096x50x304xf32, #tpu.memory_space<hbm>> -> memref<2x50x304xf32, #tpu.memory_space<hbm>>
      tpu.enqueue_dma source(%arg8 : memref<2x50x304xf32, #tpu.memory_space<vmem>>) target(%dma_start3A_215 : memref<2x50x304xf32, #tpu.memory_space<hbm>>) target_semaphore(%arg16 : memref<!tpu.dma_semaphore, #tpu.memory_space<semaphore_mem>>)
      %mul3A_216 = arith.constant 4 : i32
      %mul3A_217 = arith.muli %mul3A_216, %scan3A_79 : i32
      %add3A_218 = arith.constant 3 : i32
      %add3A_219 = arith.addi %mul3A_217, %add3A_218 : i32
      %add3A_220 = arith.constant 1 : i32
      %add3A_221 = arith.addi %add3A_219, %add3A_220 : i32
      %lt3A_222 = arith.constant 64 : i32
      %lt3A_223 = arith.cmpi slt, %add3A_221, %lt3A_222 : i32
      %convert_element_type3A_224 = arith.extui %lt3A_223 : i1 to i32
      %cond3A_225 = arith.constant 0 : i32
      %cond3A_226 = arith.cmpi ne, %convert_element_type3A_224, %cond3A_225 : i32
      scf.if %cond3A_226 {
        %add3A_263 = arith.constant 1 : i32
        %add3A_264 = arith.addi %add3A_219, %add3A_263 : i32
        %ge3A = arith.constant 4 : i32
        %ge3A_265 = arith.cmpi sge, %add3A_264, %ge3A : i32
        %convert_element_type3A_266 = arith.extui %ge3A_265 : i1 to i32
        %cond3A_267 = arith.constant 0 : i32
        %cond3A_268 = arith.cmpi ne, %convert_element_type3A_266, %cond3A_267 : i32
        scf.if %cond3A_268 {
          %add3A_295 = arith.constant 1 : i32
          %add3A_296 = arith.addi %add3A_219, %add3A_295 : i32
          %sub3A = arith.constant 4 : i32
          %sub3A_297 = arith.subi %add3A_296, %sub3A : i32
          %mul3A_298 = arith.constant 64 : i32
          %mul3A_299 = arith.muli %add3A, %mul3A_298 : i32
          %add3A_300 = arith.addi %mul3A_299, %sub3A_297 : i32
          %mul3A_301 = arith.constant 2 : i32
          %mul3A_302 = arith.muli %add3A_300, %mul3A_301 : i32
          %dma_wait3A_303 = arith.constant 0 : i32
          %dma_wait3A_304 = arith.constant 0 : i32
          %dma_wait3A_305 = tpu.memref_slice %arg4[%mul3A_302, %dma_wait3A_303, %dma_wait3A_304] : memref<4096x50x304xf32, #tpu.memory_space<hbm>> -> memref<2x50x304xf32, #tpu.memory_space<hbm>>
          %dma_wait3A_306 = arith.constant 0 : i32
          %dma_wait3A_307 = arith.constant 0 : i32
          %dma_wait3A_308 = tpu.memref_slice %arg4[%mul3A_302, %dma_wait3A_306, %dma_wait3A_307] : memref<4096x50x304xf32, #tpu.memory_space<hbm>> -> memref<2x50x304xf32, #tpu.memory_space<hbm>>
          tpu.wait_dma2 semaphore(%arg14 : memref<!tpu.dma_semaphore, #tpu.memory_space<semaphore_mem>>) src(%arg6 : memref<2x50x304xf32, #tpu.memory_space<vmem>>) dst(%dma_wait3A_308 : memref<2x50x304xf32, #tpu.memory_space<hbm>>)
        } else {
        }
        %add3A_269 = arith.constant 1 : i32
        %add3A_270 = arith.addi %add3A_219, %add3A_269 : i32
        %dma_start3A_271 = arith.constant 0 : i32
        %dma_start3A_272 = arith.constant 0 : i32
        %dma_start3A_273 = arith.constant 0 : i32
        %dma_start3A_274 = arith.constant 0 : i32
        %dma_start3A_275 = tpu.memref_slice %arg6[%dma_start3A_272, %dma_start3A_273, %dma_start3A_274] : memref<2x50x304xf32, #tpu.memory_space<vmem>> -> memref<1x50x304xf32, #tpu.memory_space<vmem>>
        %dma_start3A_276 = tpu.memref_squeeze %dma_start3A_275 : memref<1x50x304xf32, #tpu.memory_space<vmem>> -> memref<50x304xf32, #tpu.memory_space<vmem>>
        %dma_start3A_277 = arith.constant 0 : i32
        %dma_start3A_278 = tpu.memref_slice %arg5[%add3A_270, %dma_start3A_271, %dma_start3A_277] : memref<64x2x50xi32, #tpu.memory_space<vmem>> -> memref<1x1x50xi32, #tpu.memory_space<vmem>>
        %dma_start3A_279 = tpu.memref_squeeze %dma_start3A_278 : memref<1x1x50xi32, #tpu.memory_space<vmem>> -> memref<50xi32, #tpu.memory_space<vmem>>
        %dma_start3A_280 = arith.constant 0 : i32
        %dma_start3A_281 = arith.constant 0 : i32
        %dma_start3A_282 = tpu.memref_slice %arg3[%dma_start3A_280, %dma_start3A_281] : memref<100000x304xf32, #tpu.memory_space<hbm>> -> memref<100000x304xf32, #tpu.memory_space<hbm>>
        tpu.enqueue_indirect_dma source(%dma_start3A_282 : memref<100000x304xf32, #tpu.memory_space<hbm>>) target(%dma_start3A_276 : memref<50x304xf32, #tpu.memory_space<vmem>>) offsets(%dma_start3A_279 : memref<50xi32, #tpu.memory_space<vmem>>) semaphore(%arg10 : memref<!tpu.dma_semaphore, #tpu.memory_space<semaphore_mem>>)
        %dma_start3A_283 = arith.constant 1 : i32
        %dma_start3A_284 = arith.constant 1 : i32
        %dma_start3A_285 = arith.constant 0 : i32
        %dma_start3A_286 = arith.constant 0 : i32
        %dma_start3A_287 = tpu.memref_slice %arg6[%dma_start3A_284, %dma_start3A_285, %dma_start3A_286] : memref<2x50x304xf32, #tpu.memory_space<vmem>> -> memref<1x50x304xf32, #tpu.memory_space<vmem>>
        %dma_start3A_288 = tpu.memref_squeeze %dma_start3A_287 : memref<1x50x304xf32, #tpu.memory_space<vmem>> -> memref<50x304xf32, #tpu.memory_space<vmem>>
        %dma_start3A_289 = arith.constant 0 : i32
        %dma_start3A_290 = tpu.memref_slice %arg5[%add3A_270, %dma_start3A_283, %dma_start3A_289] : memref<64x2x50xi32, #tpu.memory_space<vmem>> -> memref<1x1x50xi32, #tpu.memory_space<vmem>>
        %dma_start3A_291 = tpu.memref_squeeze %dma_start3A_290 : memref<1x1x50xi32, #tpu.memory_space<vmem>> -> memref<50xi32, #tpu.memory_space<vmem>>
        %dma_start3A_292 = arith.constant 0 : i32
        %dma_start3A_293 = arith.constant 0 : i32
        %dma_start3A_294 = tpu.memref_slice %arg3[%dma_start3A_292, %dma_start3A_293] : memref<100000x304xf32, #tpu.memory_space<hbm>> -> memref<100000x304xf32, #tpu.memory_space<hbm>>
        tpu.enqueue_indirect_dma source(%dma_start3A_294 : memref<100000x304xf32, #tpu.memory_space<hbm>>) target(%dma_start3A_288 : memref<50x304xf32, #tpu.memory_space<vmem>>) offsets(%dma_start3A_291 : memref<50xi32, #tpu.memory_space<vmem>>) semaphore(%arg10 : memref<!tpu.dma_semaphore, #tpu.memory_space<semaphore_mem>>)
      } else {
      }
      %dma_wait3A_227 = arith.constant 0 : i32
      %dma_wait3A_228 = arith.constant 0 : i32
      %dma_wait3A_229 = arith.constant 0 : i32
      %dma_wait3A_230 = arith.constant 0 : i32
      %dma_wait3A_231 = tpu.memref_slice %arg9[%dma_wait3A_228, %dma_wait3A_229, %dma_wait3A_230] : memref<2x50x304xf32, #tpu.memory_space<vmem>> -> memref<1x50x304xf32, #tpu.memory_space<vmem>>
      %dma_wait3A_232 = tpu.memref_squeeze %dma_wait3A_231 : memref<1x50x304xf32, #tpu.memory_space<vmem>> -> memref<50x304xf32, #tpu.memory_space<vmem>>
      %dma_wait3A_233 = arith.constant 0 : i32
      %dma_wait3A_234 = tpu.memref_slice %arg5[%add3A_219, %dma_wait3A_227, %dma_wait3A_233] : memref<64x2x50xi32, #tpu.memory_space<vmem>> -> memref<1x1x50xi32, #tpu.memory_space<vmem>>
      %dma_wait3A_235 = tpu.memref_squeeze %dma_wait3A_234 : memref<1x1x50xi32, #tpu.memory_space<vmem>> -> memref<50xi32, #tpu.memory_space<vmem>>
      %dma_wait3A_236 = arith.constant 0 : i32
      %dma_wait3A_237 = arith.constant 0 : i32
      %dma_wait3A_238 = tpu.memref_slice %arg3[%dma_wait3A_236, %dma_wait3A_237] : memref<100000x304xf32, #tpu.memory_space<hbm>> -> memref<100000x304xf32, #tpu.memory_space<hbm>>
      tpu.wait_indirect_dma semaphore(%arg13 : memref<!tpu.dma_semaphore, #tpu.memory_space<semaphore_mem>>) src(%dma_wait3A_238 : memref<100000x304xf32, #tpu.memory_space<hbm>>) dst(%dma_wait3A_232 : memref<50x304xf32, #tpu.memory_space<vmem>>)
      %dma_wait3A_239 = arith.constant 1 : i32
      %dma_wait3A_240 = arith.constant 1 : i32
      %dma_wait3A_241 = arith.constant 0 : i32
      %dma_wait3A_242 = arith.constant 0 : i32
      %dma_wait3A_243 = tpu.memref_slice %arg9[%dma_wait3A_240, %dma_wait3A_241, %dma_wait3A_242] : memref<2x50x304xf32, #tpu.memory_space<vmem>> -> memref<1x50x304xf32, #tpu.memory_space<vmem>>
      %dma_wait3A_244 = tpu.memref_squeeze %dma_wait3A_243 : memref<1x50x304xf32, #tpu.memory_space<vmem>> -> memref<50x304xf32, #tpu.memory_space<vmem>>
      %dma_wait3A_245 = arith.constant 0 : i32
      %dma_wait3A_246 = tpu.memref_slice %arg5[%add3A_219, %dma_wait3A_239, %dma_wait3A_245] : memref<64x2x50xi32, #tpu.memory_space<vmem>> -> memref<1x1x50xi32, #tpu.memory_space<vmem>>
      %dma_wait3A_247 = tpu.memref_squeeze %dma_wait3A_246 : memref<1x1x50xi32, #tpu.memory_space<vmem>> -> memref<50xi32, #tpu.memory_space<vmem>>
      %dma_wait3A_248 = arith.constant 0 : i32
      %dma_wait3A_249 = arith.constant 0 : i32
      %dma_wait3A_250 = tpu.memref_slice %arg3[%dma_wait3A_248, %dma_wait3A_249] : memref<100000x304xf32, #tpu.memory_space<hbm>> -> memref<100000x304xf32, #tpu.memory_space<hbm>>
      tpu.wait_indirect_dma semaphore(%arg13 : memref<!tpu.dma_semaphore, #tpu.memory_space<semaphore_mem>>) src(%dma_wait3A_250 : memref<100000x304xf32, #tpu.memory_space<hbm>>) dst(%dma_wait3A_244 : memref<50x304xf32, #tpu.memory_space<vmem>>)
      %mul3A_251 = arith.constant 64 : i32
      %mul3A_252 = arith.muli %add3A, %mul3A_251 : i32
      %add3A_253 = arith.addi %mul3A_252, %add3A_219 : i32
      %mul3A_254 = arith.constant 2 : i32
      %mul3A_255 = arith.muli %add3A_253, %mul3A_254 : i32
      %dma_start3A_256 = arith.constant 0 : i32
      %dma_start3A_257 = arith.constant 0 : i32
      %dma_start3A_258 = tpu.memref_slice %arg4[%mul3A_255, %dma_start3A_256, %dma_start3A_257] : memref<4096x50x304xf32, #tpu.memory_space<hbm>> -> memref<2x50x304xf32, #tpu.memory_space<hbm>>
      %dma_start3A_259 = arith.constant 0 : i32
      %dma_start3A_260 = arith.constant 0 : i32
      %dma_start3A_261 = tpu.memref_slice %arg4[%mul3A_255, %dma_start3A_259, %dma_start3A_260] : memref<4096x50x304xf32, #tpu.memory_space<hbm>> -> memref<2x50x304xf32, #tpu.memory_space<hbm>>
      tpu.enqueue_dma source(%arg9 : memref<2x50x304xf32, #tpu.memory_space<vmem>>) target(%dma_start3A_261 : memref<2x50x304xf32, #tpu.memory_space<hbm>>) target_semaphore(%arg17 : memref<!tpu.dma_semaphore, #tpu.memory_space<semaphore_mem>>)
      %scan3A_262 = arith.constant 0 : i32
      scf.yield %scan3A_262 : i32
    }
    %scan3A_31 = arith.constant 16 : i32
    %mul3A_32 = arith.constant 64 : i32
    %mul3A_33 = arith.muli %add3A, %mul3A_32 : i32
    %add3A_34 = arith.constant 60 : i32
    %add3A_35 = arith.addi %mul3A_33, %add3A_34 : i32
    %mul3A_36 = arith.constant 2 : i32
    %mul3A_37 = arith.muli %add3A_35, %mul3A_36 : i32
    %dma_wait3A = arith.constant 0 : i32
    %dma_wait3A_38 = arith.constant 0 : i32
    %dma_wait3A_39 = tpu.memref_slice %arg4[%mul3A_37, %dma_wait3A, %dma_wait3A_38] : memref<4096x50x304xf32, #tpu.memory_space<hbm>> -> memref<2x50x304xf32, #tpu.memory_space<hbm>>
    %dma_wait3A_40 = arith.constant 0 : i32
    %dma_wait3A_41 = arith.constant 0 : i32
    %dma_wait3A_42 = tpu.memref_slice %arg4[%mul3A_37, %dma_wait3A_40, %dma_wait3A_41] : memref<4096x50x304xf32, #tpu.memory_space<hbm>> -> memref<2x50x304xf32, #tpu.memory_space<hbm>>
    tpu.wait_dma2 semaphore(%arg14 : memref<!tpu.dma_semaphore, #tpu.memory_space<semaphore_mem>>) src(%arg6 : memref<2x50x304xf32, #tpu.memory_space<vmem>>) dst(%dma_wait3A_42 : memref<2x50x304xf32, #tpu.memory_space<hbm>>)
    %mul3A_43 = arith.constant 64 : i32
    %mul3A_44 = arith.muli %add3A, %mul3A_43 : i32
    %add3A_45 = arith.constant 61 : i32
    %add3A_46 = arith.addi %mul3A_44, %add3A_45 : i32
    %mul3A_47 = arith.constant 2 : i32
    %mul3A_48 = arith.muli %add3A_46, %mul3A_47 : i32
    %dma_wait3A_49 = arith.constant 0 : i32
    %dma_wait3A_50 = arith.constant 0 : i32
    %dma_wait3A_51 = tpu.memref_slice %arg4[%mul3A_48, %dma_wait3A_49, %dma_wait3A_50] : memref<4096x50x304xf32, #tpu.memory_space<hbm>> -> memref<2x50x304xf32, #tpu.memory_space<hbm>>
    %dma_wait3A_52 = arith.constant 0 : i32
    %dma_wait3A_53 = arith.constant 0 : i32
    %dma_wait3A_54 = tpu.memref_slice %arg4[%mul3A_48, %dma_wait3A_52, %dma_wait3A_53] : memref<4096x50x304xf32, #tpu.memory_space<hbm>> -> memref<2x50x304xf32, #tpu.memory_space<hbm>>
    tpu.wait_dma2 semaphore(%arg15 : memref<!tpu.dma_semaphore, #tpu.memory_space<semaphore_mem>>) src(%arg7 : memref<2x50x304xf32, #tpu.memory_space<vmem>>) dst(%dma_wait3A_54 : memref<2x50x304xf32, #tpu.memory_space<hbm>>)
    %mul3A_55 = arith.constant 64 : i32
    %mul3A_56 = arith.muli %add3A, %mul3A_55 : i32
    %add3A_57 = arith.constant 62 : i32
    %add3A_58 = arith.addi %mul3A_56, %add3A_57 : i32
    %mul3A_59 = arith.constant 2 : i32
    %mul3A_60 = arith.muli %add3A_58, %mul3A_59 : i32
    %dma_wait3A_61 = arith.constant 0 : i32
    %dma_wait3A_62 = arith.constant 0 : i32
    %dma_wait3A_63 = tpu.memref_slice %arg4[%mul3A_60, %dma_wait3A_61, %dma_wait3A_62] : memref<4096x50x304xf32, #tpu.memory_space<hbm>> -> memref<2x50x304xf32, #tpu.memory_space<hbm>>
    %dma_wait3A_64 = arith.constant 0 : i32
    %dma_wait3A_65 = arith.constant 0 : i32
    %dma_wait3A_66 = tpu.memref_slice %arg4[%mul3A_60, %dma_wait3A_64, %dma_wait3A_65] : memref<4096x50x304xf32, #tpu.memory_space<hbm>> -> memref<2x50x304xf32, #tpu.memory_space<hbm>>
    tpu.wait_dma2 semaphore(%arg16 : memref<!tpu.dma_semaphore, #tpu.memory_space<semaphore_mem>>) src(%arg8 : memref<2x50x304xf32, #tpu.memory_space<vmem>>) dst(%dma_wait3A_66 : memref<2x50x304xf32, #tpu.memory_space<hbm>>)
    %mul3A_67 = arith.constant 64 : i32
    %mul3A_68 = arith.muli %add3A, %mul3A_67 : i32
    %add3A_69 = arith.constant 63 : i32
    %add3A_70 = arith.addi %mul3A_68, %add3A_69 : i32
    %mul3A_71 = arith.constant 2 : i32
    %mul3A_72 = arith.muli %add3A_70, %mul3A_71 : i32
    %dma_wait3A_73 = arith.constant 0 : i32
    %dma_wait3A_74 = arith.constant 0 : i32
    %dma_wait3A_75 = tpu.memref_slice %arg4[%mul3A_72, %dma_wait3A_73, %dma_wait3A_74] : memref<4096x50x304xf32, #tpu.memory_space<hbm>> -> memref<2x50x304xf32, #tpu.memory_space<hbm>>
    %dma_wait3A_76 = arith.constant 0 : i32
    %dma_wait3A_77 = arith.constant 0 : i32
    %dma_wait3A_78 = tpu.memref_slice %arg4[%mul3A_72, %dma_wait3A_76, %dma_wait3A_77] : memref<4096x50x304xf32, #tpu.memory_space<hbm>> -> memref<2x50x304xf32, #tpu.memory_space<hbm>>
    tpu.wait_dma2 semaphore(%arg17 : memref<!tpu.dma_semaphore, #tpu.memory_space<semaphore_mem>>) src(%arg9 : memref<2x50x304xf32, #tpu.memory_space<vmem>>) dst(%dma_wait3A_78 : memref<2x50x304xf32, #tpu.memory_space<hbm>>)
    return
  }
}

module attributes {stable_mosaic.version = 14 : i64} {
  func.func @_prep_body(%arg0: i32, %arg1: memref<300x512xf32, #tpu.memory_space<vmem>>, %arg2: memref<512x304xf32, #tpu.memory_space<vmem>>) attributes {dimension_semantics = [#tpu.dimension_semantics<arbitrary>], iteration_bounds = array<i64: 196>, scalar_prefetch = 0 : i64, scratch_operands = 0 : i64, tpu.core_type = #tpu.core_type<tc>, window_params = [{transform_indices = @transform_0, window_bounds = array<i64: 300, 512>}, {transform_indices = @transform_1, window_bounds = array<i64: 512, 304>}]} {
    %get3A = arith.constant 0 : index
    %get3A_0 = arith.constant 0 : index
    %get3A_1 = vector.load %arg1[%get3A, %get3A_0] : memref<300x512xf32, #tpu.memory_space<vmem>>, vector<300x512xf32>
    %jit3A = arith.constant 0 : i32
    %convert_element_type3A = arith.sitofp %jit3A : i32 to f32
    %pad3A = vector.broadcast %convert_element_type3A : f32 to vector<4x512xf32>
    %pad3A_2 = tpu.concatenate %get3A_1, %pad3A in 0 : vector<300x512xf32>, vector<4x512xf32> -> vector<304x512xf32>
    %transpose3A = tpu.transpose %pad3A_2, [1, 0] : vector<304x512xf32> -> vector<512x304xf32>
    %mul3A = arith.constant 17.320509 : f32
    %mul3A_3 = vector.broadcast %mul3A : f32 to vector<512x304xf32>
    %mul3A_4 = arith.mulf %transpose3A, %mul3A_3 : vector<512x304xf32>
    %swap3A = arith.constant 0 : index
    %swap3A_5 = arith.constant 0 : index
    %swap3A_6 = vector.load %arg2[%swap3A, %swap3A_5] : memref<512x304xf32, #tpu.memory_space<vmem>>, vector<512x304xf32>
    tpu.vector_store %arg2[%swap3A, %swap3A_5], %mul3A_4 {strides = array<i32>} : memref<512x304xf32, #tpu.memory_space<vmem>>, vector<512x304xf32>,
    return
  }
  func.func @transform_0(%arg0: i32) -> (i32, i32) {
    %c0_i32 = arith.constant 0 : i32
    %c0_i32_0 = arith.constant 0 : i32
    return %c0_i32, %arg0 : i32, i32
  }
  func.func @transform_1(%arg0: i32) -> (i32, i32) {
    %c0_i32 = arith.constant 0 : i32
    %c0_i32_0 = arith.constant 0 : i32
    return %arg0, %c0_i32 : i32, i32
  }
}

</mosaic_0001>

<sc_bundles>
// kernel: kernel.4.cloned.1.call-start
scs
__scs_entry_jumppad:
0x0: {  	(pc) =	sbr.rel $0x88, $3  }
0x1: {  	(tag) =	ssettag $0x0;
	lr =	simm.s32 $0x1  }
0x2: {  	[smem:$0x3F9F] =	sst lr;
	_ =	strace $0xD0000000  }
0x3: {  	_ = 	snop  }
0x4: {  	_ = 	snop  }
0x5: {  	_ = 	snop  }
0x6: {  	_ = 	snop  }
0x7: {  	_ = 	snop  }
__scs_overlays_trampoline_lowered:
0x8: {  	[smem:$0x3FAE] =	sst s0  }
0x9: {  	[smem:$0x3FAF] =	sst s1  }
0xa: {  	[smem:$0x3FB0] =	sst s2  }
0xb: {  	[smem:$0x3FB1] =	sst s3  }
0xc: {  	[smem:$0x3FB2] =	sst s4  }
0xd: {  	[smem:$0x3FB3] =	sst s5  }
0xe: {  	[smem:$0x3FB4] =	sst s6  }
0xf: {  	[smem:$0x3FB5] =	sst s7  }
0x10: {  	[smem:$0x3FB6] =	sst s8  }
0x11: {  	[smem:$0x3FB7] =	sst s9;
	s0 =	simm.s32 @!p0 $0x0  }
0x12: {  	s1 =	sld [smem:$0x3F9D];
	s0 =	simm.s32 @p0 $0x1  }
0x13: {  	[smem:$0x3FB8] =	sst s0;
	s0 =	simm.s32 @!p1 $0x0  }
0x14: {  	s2 =	sld [smem:$0x3F9C];
	s0 =	simm.s32 @p1 $0x1  }
0x15: {  	[smem:$0x3FB9] =	sst s0;
	s0 =	simm.s32 @!p2 $0x0  }
0x16: {  	s3 =	sld [smem:$0x3FDB];
	s0 =	simm.s32 @p2 $0x1  }
0x17: {  	s4 =	simm.s32 $0x1BF5;
	[smem:$0x3FBB] =	sst s0  }
0x18: {  	s0 =	sld [smem:$0x3F9E];
	_ =	swait.ge [sflag:s4], $0x0  }
0x19: {  	s7 =	sld [smem:$0x3F9F]  }
0x1a: {  	s8 =	sadd.s32 $0xFFFFE003, lr  }
0x1b: {  	s9 =	sadd.s32 $0xFFFFFEF7, lr;
	s5 =	simm.s32 $0xFFFFFFFF;
	p2 =	slt.u32 s8, $0xFFFFF086  }
0x1c: {  	p1 =	slt.u32 s9, $0xF7A;
	s5 =	simm.s32 @!p2 $0x0  }
0x1d: {  	s5 =	simm.s32 @p1 $0x1;
	p0 =	seq.s32 s7, s2  }
0x1e: {  	s7 =	smul.u32 @!p0 $0xF7A, s2;
	p2 =	seq.s32 @!p0 s5, $0x0  }
0x1f: {  	s9 =	smul.u32 $0xF7A, s1;
	s8 =	simm.s32 @!p0 $0x1BF5;
	p2 =	por !p2, p0  }
0x20: {  	[sflag:s8] =	ssyncset.s32 @!p0 $0xFFFFF086;
	s6 =	sadd.s32 @!p0 s3, s7;
	s7 =	simm.s32 @!p0 $0x108  }
0x21: {  	s3 =	sadd.s32 s3, s9;
	s6 =	sadd.s32 @!p0 $0x88, s6;
	s7 =	simm.s32 @p2 $0x1082  }
0x22: {  	[simem:s7], [sflag:s8] =	dma.local @!p0 [hbm:s6], $0xF7A  }
0x23: {  	s9 =	sor.u32 $0xD0000000, s2;
	s6 =	simm.s32 $0x108;
	_ =	swait.ge @!p0 [sflag:s8], $0x0  }
0x24: {  	s3 =	sadd.s32 $0x88, s3;
	s6 =	simm.s32 @!p1 $0x1082;
	[sflag:s4] =	ssyncset.s32 $0xFFFFF086  }
0x25: {  	[simem:s6], [sflag:s4] =	dma.local [hbm:s3], $0xF7A  }
0x26: {  	[smem:$0x3F9F] =	sst s1;
	(tag) =	ssettag s2;
	_ =	strace s9  }
0x27: {  	s1 =	sld [smem:$0x3FAF]  }
0x28: {  	s2 =	sld [smem:$0x3FB0]  }
0x29: {  	s4 =	sld [smem:$0x3FB2]  }
0x2a: {  	p0 =	seq.s32 s5, $0x0;
	s5 =	sld [smem:$0x3FB3]  }
0x2b: {  	s6 =	sld [smem:$0x3FB4]  }
0x2c: {  	s7 =	sld [smem:$0x3FB5]  }
0x2d: {  	s3 =	simm.s32 $0x108;
	s8 =	sld [smem:$0x3FB6]  }
0x2e: {  	s3 =	simm.s32 @!p0 $0x1082;
	s9 =	sld [smem:$0x3FB7]  }
0x2f: {  	lr =	sadd.s32 s0, s3;
	s0 =	sld [smem:$0x3FAE]  }
0x30: {  	s3 =	sld [smem:$0x3FB1]  }
0x31: {  	[smem:$0x3FBA] =	sst s10  }
0x32: {  	s10 =	sld [smem:$0x3FB8];
	_ =	sdelay $0x3  }
0x33: {  	p0 =	seq.s32 s10, $0x1;
	s10 =	sld [smem:$0x3FBA];
	_ =	sdelay $0x3  }
0x34: {  	[smem:$0x3FBA] =	sst s10  }
0x35: {  	s10 =	sld [smem:$0x3FB9];
	_ =	sdelay $0x3  }
0x36: {  	p1 =	seq.s32 s10, $0x1;
	s10 =	sld [smem:$0x3FBA];
	_ =	sdelay $0x3  }
0x37: {  	[smem:$0x3FBA] =	sst s10  }
0x38: {  	s10 =	sld [smem:$0x3FBB]  }
0x39: {  	_ = 	snop;
	(pc) =	sbr.ind lr, $3  }
0x3a: {  	_ = 	snop  }
0x3b: {  	_ = 	snop  }
0x3c: {  	p2 =	seq.s32 s10, $0x1;
	s10 =	sld [smem:$0x3FBA]  }
0x3d: {  	_ =	shalt  }
0x3e: {  	_ =	shalt  }
0x3f: {  	_ =	shalt  }
0x40: {  	_ =	shalt  }
0x41: {  	_ =	shalt  }
0x42: {  	_ =	shalt  }
0x43: {  	_ =	shalt  }
0x44: {  	_ =	shalt  }
0x45: {  	_ =	shalt  }
0x46: {  	_ =	shalt  }
0x47: {  	_ =	shalt  }
0x48: {  	_ =	shalt  }
0x49: {  	_ =	shalt  }
0x4a: {  	_ =	shalt  }
0x4b: {  	_ =	shalt  }
0x4c: {  	_ =	shalt  }
0x4d: {  	_ =	shalt  }
0x4e: {  	_ =	shalt  }
0x4f: {  	_ =	shalt  }
0x50: {  	_ =	shalt  }
0x51: {  	_ =	shalt  }
0x52: {  	_ =	shalt  }
0x53: {  	_ =	shalt  }
0x54: {  	_ =	shalt  }
0x55: {  	_ =	shalt  }
0x56: {  	_ =	shalt  }
0x57: {  	_ =	shalt  }
0x58: {  	_ =	shalt  }
0x59: {  	_ =	shalt  }
0x5a: {  	_ =	shalt  }
0x5b: {  	_ =	shalt  }
0x5c: {  	_ =	shalt  }
0x5d: {  	_ =	shalt  }
0x5e: {  	_ =	shalt  }
0x5f: {  	_ =	shalt  }
0x60: {  	_ =	shalt  }
0x61: {  	_ =	shalt  }
0x62: {  	_ =	shalt  }
0x63: {  	_ =	shalt  }
0x64: {  	_ =	shalt  }
0x65: {  	_ =	shalt  }
0x66: {  	_ =	shalt  }
0x67: {  	_ =	shalt  }
0x68: {  	_ =	shalt  }
0x69: {  	_ =	shalt  }
0x6a: {  	_ =	shalt  }
0x6b: {  	_ =	shalt  }
0x6c: {  	_ =	shalt  }
0x6d: {  	_ =	shalt  }
0x6e: {  	_ =	shalt  }
0x6f: {  	_ =	shalt  }
0x70: {  	_ =	shalt  }
0x71: {  	_ =	shalt  }
0x72: {  	_ =	shalt  }
0x73: {  	_ =	shalt  }
0x74: {  	_ =	shalt  }
0x75: {  	_ =	shalt  }
0x76: {  	_ =	shalt  }
0x77: {  	_ =	shalt  }
0x78: {  	_ =	shalt  }
0x79: {  	_ =	shalt  }
0x7a: {  	_ =	shalt  }
0x7b: {  	_ =	shalt  }
0x7c: {  	_ =	shalt  }
0x7d: {  	_ =	shalt  }
0x7e: {  	_ =	shalt  }
0x7f: {  	_ =	shalt  }
0x80: {  	_ =	shalt  }
0x81: {  	_ =	shalt  }
0x82: {  	_ =	shalt  }
0x83: {  	_ =	shalt  }
0x84: {  	_ =	shalt  }
0x85: {  	_ =	shalt  }
0x86: {  	_ =	shalt  }
0x87: {  	_ =	shalt  }
.Lfunc_end0:
.L_simem_size_0:
called_computation.1_lowered:
.L_overlay_start_0:
0x88: {  	s2 =	sld [smem:$0x3FD9]  }
0x89: {  	s3 =	sld [smem:$0x3FFE];
	_ =	sdelay $0x1  }
0x8a: {  	s1 =	srdreg.scid  }
0x8b: {  	s0 =	sand.u32 $0x1, s1  }
0x8c: {  	s17 =	sshll.u32 s0, $0xA;
	s2 =	sadd.s32 s3, s2  }
0x8d: {  	s2 =	sadd.s32 s2, s17  }
0x8e: {  	[smem:$0x3FC6] =	sst s2  }
0x8f: {  	_ = 	snop  }
0x90: {  	s2 =	sld [smem:$0x3FD0];
	(tm) =	ssettm $0x1  }
0x91: {  	s18 =	sld [smem:$0x3FFB];
	_ =	sdelay $0x3  }
0x92: {  	_ =	strace s18  }
0x93: {  	s3 =	sld [smem:$0x3FFC];
	_ =	sdelay $0x3  }
0x94: {  	_ =	strace s3  }
0x95: {  	s3 =	sld [smem:$0x3FFD];
	_ =	sdelay $0x3  }
0x96: {  	_ =	strace s3  }
0x97: {  	_ =	strace $0x8FFFFFFF  }
0x98: {  	s19 =	sld [smem:$0x3FDB];
	_ =	sdelay $0x1  }
0x99: {  	s4 =	simm.s32 $_scs_section_size  }
0x9a: {  	s5 =	simm.s32 $_size__tile_overlayer_lowered;
	s6 =	simm.s32 $_tile_overlayer_lowered  }
0x9b: {  	s22 =	simm.s32 $0x1BFF;
	s21 =	sshll.u32 s6, $0x1;
	s3 =	sadd.s32 s4, s19  }
0x9c: {  	s7 =	simm.s32 $0x0;
	s20 =	sshll.u32 s5, $0x1;
	s5 =	sadd.s32 s21, s3  }
0x9d: {  	[timem:s7], [sflag:s22] =	dma.local [hbm:s5], s20  }
0x9e: {  	_ =	swait.ge [sflag:s22], s20  }
0x9f: {  	s4 =	ssub.s32 $0x0, s20;
	[sflag:s22] =	ssyncset.done $0x0  }
0xa0: {  	[sflag:s22] =	ssyncadd.s32 s4;
	_ =	sdelay $0x1  }
0xa1: {  	s23 =	simm.s32 $0x1B8B  }
0xa2: {  	_ =	swait.ge [sflag:s23], $0x1  }
0xa3: {  	[sflag:s23] =	ssyncset.done $0x0  }
0xa4: {  	s25 =	simm.s32 $0x1B8E;
	s24 =	sld [smem:$0x3FFE];
	[sflag:s23] =	ssyncadd.s32 $0xFFFFFFFF  }
0xa5: {  	s26 =	simm.s32 $execute0_lowered;
	[smem:$0x3FD2] =	sst s25  }
0xa6: {  	s5 =	sshll.u32 s26, $0x1;
	_ =	strace $0x80000046;
	[dreg:$0x1] =	wrdreg $0xFFFFFFFF  }
0xa7: {  	s28 =	simm.s32 $_size_execute0_lowered;
	s3 =	sadd.s32 s3, s5;
	[dreg:$0x0] =	wrdreg $0x0  }
0xa8: {  	s5 =	sshll.u32 s28, $0x1;
	[dreg:$0x2] =	wrdreg s3  }
0xa9: {  	[dreg:$0x3] =	wrdreg s5  }
0xaa: {  	[dreg:$0x4] =	wrdreg $0xC0  }
0xab: {  	_ =	task [dreg:s7], $0x5FFFF  }
0xac: {  	[dreg:$0x1] =	wrdreg $0xFFFFFFFF  }
0xad: {  	[dreg:$0x0] =	wrdreg $0x60  }
0xae: {  	[dreg:$0x2] =	wrdreg s24  }
0xaf: {  	[dreg:$0x3] =	wrdreg s2  }
0xb0: {  	[dreg:$0x4] =	wrdreg $0x9  }
0xb1: {  	_ =	task.clear_ibuf [dreg:s7], $0x5FFFF;
	_ =	strace $0x90000046  }
0xb2: {  	s29 =	simm.s32 $0x9;
	_ =	strace $0x80000048  }
0xb3: {  	_ =	swait.ge [sflag:s29], $0x1  }
0xb4: {  	[sflag:s29] =	ssyncadd.s32 $0xFFFFFFFF  }
0xb5: {  	_ =	strace $0x90000048  }
0xb6: {  	_ =	sfence  }
0xb7: {  	s30 =	sld [smem:$0x0];
	_ =	sdelay $0x2  }
0xb8: {  	s31 =	sshll.u32 s1, $0xD;
	s1 =	sshrl.u32 s1, $0x2  }
0xb9: {  	s3 =	sand.u32 $0x4000, s31;
	s1 =	sadd.s32 s1, s30  }
0xba: {  	s0 =	sor.u32 s3, s0;
	s1 =	sshll.u32 s1, $0x11  }
0xbb: {  	s0 =	sor.u32 s1, s0  }
0xbc: {  	s0 =	sadd.s32 $0x8F2B, s0  }
0xbd: {  	[sflag:s0] =	ssyncadd.remote.s32 $0x1  }
0xbe: {  	_ =	sfence.sel $0xFFFF  }
0xbf: {  	[dreg:$0x0] =	wrdreg $0xFFFFFFFF;
	(pc) =	sbr.abs _section_cstart, $3  }
0xc0: {  	[dreg:$0x1] =	wrdreg $0xFFFFFFFF  }
0xc1: {  	_ =	task.clear_ibuf [dreg:s7], $0x2FFFF;
	_ =	strace $0x9FFFFFFF  }
0xc2: {  	(tm) =	ssettm $0x7FFFFFFF  }
0xc3: {  	_ =	shalt  }
tec
execute0_lowered:
.L_overlay_start_1:
0x0: {  	(tag) =	ssettag $0x1  }
0x1: {  	s3 =	rddreg [dreg:$0x0]  }
0x2: {  	s1 =	srdreg.scid;
	s0 =	stileid.u32  }
0x3: {  	s6 =	rddreg [dreg:$0x1];
	s2 =	simm.s32 $0x0;
	s10 =	simm.s32 $0x38  }
0x4: {  	s13 =	simm.s32 $0xCE20;
	s11 =	simm.s32 $0x5760;
	s12 =	simm.s32 $0x92C0  }
0x5: {  	s14 =	simm.s32 $0x10980;
	s15 =	simm.s32 $0x144E0;
	s17 =	simm.s32 $0x1BBA0  }
0x6: {  	s16 =	simm.s32 $0x18040;
	s18 =	simm.s32 $0x4;
	s19 =	simm.s32 $0x5  }
0x7: {  	s20 =	simm.s32 $0x6;
	s21 =	simm.s32 $0x7;
	s22 =	simm.s32 $0x8  }
0x8: {  	s23 =	simm.s32 $0x0;
	s4 =	sand.u32 $0x1, s1;
	s5 =	sshll.u32 s0, $0x1  }
0x9: {  	[smem:$0x7FF] =	sst s2;
	s9 =	smul.u32 $0x76C00, s0;
	s5 =	sor.u32 s4, s5  }
0xa: {  	_ =	strace $0x80000047;
	s7 =	ssub.s32 $0x2, s4;
	[dreg:$0x3] =	wrdreg s13  }
0xb: {  	s31 =	smul.u32 $0x3B600, s4;
	s13 =	simm.s32 $0x1;
	[dreg:$0x4] =	wrdreg s15  }
0xc: {  	s15 =	simm.s32 $0x2;
	[dreg:$0x5] =	wrdreg s17;
	s17 =	simm.s32 $0x3  }
0xd: {  	s5 =	smul.u32 $0x380, s5;
	s8 =	sshrl.u32 s7, $0x1;
	s6 =	sadd.s32 s9, s6  }
0xe: {  	s9 =	simm.s32 $0x1C00;
	s7 =	ssub.s32 s7, s8;
	s6 =	sadd.s32 s31, s6  }
0xf: {  	s8 =	simm.s32 $0x32;
	s5 =	sadd.s32 s5, s3;
	s3 =	sadd.s32 $0x7800, s3  }
0x10: {  	s4 =	sadd.s32 $0x800, s5;
	s5 =	smax.u32 s7, $0x1;
	s7 =	simm.s32 $0x9  }
.LBB2_1:
0x11: {  	[tilespmem:s2], [sflag:$0x9] =	stream.linear.gather [hbm4b:s4+s2], $0x1C00, $0x38;
	[tilespmem:$0x1F700] =	vst v63  }
0x12: {  	_ =	swait.ge [sflag:s7], $0x1C00  }
0x13: {  	p0 =	por $0x1, $0x1;
	[sflag:s7] =	ssyncset.done $0x0  }
0x14: {  	p0 =	por p0, p0;
	[sflag:s7] =	ssyncadd.s32 $0xFFFFE400  }
0x15: {  	[tilespmem:s9], [sflag:$0x1] =	stream.indirect.gather [hbm4b:s3+s8], $0x130, s2, s8, $0xb8;
	[tilespmem:$0x1F700] =	vst v63  }
0x16: {  	s24 =	simm.s32 @!p0 $0x6  }
0x17: {  	[tilespmem:s11], [sflag:$0x1] =	stream.indirect.gather [hbm4b:s3+s8], $0x130, s10, s8, $0xb8;
	[tilespmem:$0x1F700] =	vst v63  }
0x18: {  	_ =	swait.ge @!p0 [sflag:s24], $0x76C0  }
0x19: {  	[sflag:s24] =	ssyncset.done @!p0 $0x0  }
0x1a: {  	s1 =	simm.s32 $0x70;
	[sflag:s24] =	ssyncadd.s32 @!p0 $0xFFFF8940  }
0x1b: {  	[tilespmem:s12], [sflag:$0x2] =	stream.indirect.gather [hbm4b:s3+s8], $0x130, s1, s8, $0xb8;
	[tilespmem:$0x1F700] =	vst v63  }
0x1c: {  	s26 =	simm.s32 $0xA8;
	s25 =	rddreg [dreg:$0x3]  }
0x1d: {  	[tilespmem:s25], [sflag:$0x2] =	stream.indirect.gather [hbm4b:s3+s8], $0x130, s26, s8, $0xb8;
	[tilespmem:$0x1F700] =	vst v63  }
0x1e: {  	_ =	swait.ge [sflag:s13], $0x3B60  }
0x1f: {  	[sflag:s13] =	ssyncset.done $0x0  }
0x20: {  	[sflag:s13] =	ssyncadd.s32 $0xFFFFC4A0  }
0x21: {  	_ =	swait.ge [sflag:s13], $0x3B60  }
0x22: {  	[sflag:s13] =	ssyncset.done $0x0  }
0x23: {  	s24 =	simm.s32 @!p0 $0x7;
	[sflag:s13] =	ssyncadd.s32 $0xFFFFC4A0  }
0x24: {  	[hbm4b:s6+s2] =	stream.linear.scatter [tilespmem:s9], [sflag:$0x5], $0x76C0, $0x38;
	[tilespmem:$0x1F700] =	vst v63  }
0x25: {  	_ =	swait.ge @!p0 [sflag:s24], $0x76C0  }
0x26: {  	[sflag:s24] =	ssyncset.done @!p0 $0x0  }
0x27: {  	s29 =	simm.s32 $0xE0;
	[sflag:s24] =	ssyncadd.s32 @!p0 $0xFFFF8940  }
0x28: {  	[tilespmem:s14], [sflag:$0x3] =	stream.indirect.gather [hbm4b:s3+s8], $0x130, s29, s8, $0xb8;
	[tilespmem:$0x1F700] =	vst v63  }
0x29: {  	s31 =	simm.s32 $0x118;
	s30 =	rddreg [dreg:$0x4]  }
0x2a: {  	[tilespmem:s30], [sflag:$0x3] =	stream.indirect.gather [hbm4b:s3+s8], $0x130, s31, s8, $0xb8;
	[tilespmem:$0x1F700] =	vst v63  }
0x2b: {  	_ =	swait.ge [sflag:s15], $0x3B60  }
0x2c: {  	[sflag:s15] =	ssyncset.done $0x0  }
0x2d: {  	[sflag:s15] =	ssyncadd.s32 $0xFFFFC4A0  }
0x2e: {  	_ =	swait.ge [sflag:s15], $0x3B60  }
0x2f: {  	[sflag:s15] =	ssyncset.done $0x0  }
0x30: {  	s1 =	sadd.s32 $0xED8, s6;
	s25 =	simm.s32 @!p0 $0x8;
	[sflag:s15] =	ssyncadd.s32 $0xFFFFC4A0  }
0x31: {  	[hbm4b:s1+s2] =	stream.linear.scatter [tilespmem:s12], [sflag:$0x6], $0x76C0, $0x38;
	[tilespmem:$0x1F700] =	vst v63  }
0x32: {  	_ =	swait.ge @!p0 [sflag:s25], $0x76C0  }
0x33: {  	[sflag:s25] =	ssyncset.done @!p0 $0x0  }
0x34: {  	s26 =	simm.s32 $0x150;
	[sflag:s25] =	ssyncadd.s32 @!p0 $0xFFFF8940  }
0x35: {  	[tilespmem:s16], [sflag:$0x4] =	stream.indirect.gather [hbm4b:s3+s8], $0x130, s26, s8, $0xb8;
	[tilespmem:$0x1F700] =	vst v63  }
0x36: {  	s30 =	simm.s32 $0x188;
	s29 =	rddreg [dreg:$0x5]  }
0x37: {  	[tilespmem:s29], [sflag:$0x4] =	stream.indirect.gather [hbm4b:s3+s8], $0x130, s30, s8, $0xb8;
	[tilespmem:$0x1F700] =	vst v63  }
0x38: {  	_ =	swait.ge [sflag:s17], $0x3B60  }
0x39: {  	[sflag:s17] =	ssyncset.done $0x0  }
0x3a: {  	[sflag:s17] =	ssyncadd.s32 $0xFFFFC4A0  }
0x3b: {  	_ =	swait.ge [sflag:s17], $0x3B60  }
0x3c: {  	p0 =	por $0x0, $0x0;
	[sflag:s17] =	ssyncset.done $0x0  }
0x3d: {  	s31 =	sadd.s32 $0x1DB0, s6;
	s24 =	simm.s32 @!p0 $0x5;
	[sflag:s17] =	ssyncadd.s32 $0xFFFFC4A0  }
0x3e: {  	[hbm4b:s31+s2] =	stream.linear.scatter [tilespmem:s14], [sflag:$0x7], $0x76C0, $0x38;
	[tilespmem:$0x1F700] =	vst v63  }
0x3f: {  	_ =	swait.ge @!p0 [sflag:s24], $0x76C0  }
0x40: {  	s25 =	simm.s32 @!p0 $0x1C0;
	[sflag:s24] =	ssyncset.done @!p0 $0x0  }
0x41: {  	s26 =	simm.s32 @!p0 $0x32;
	s28 =	simm.s32 @!p0 $0x1C00;
	[sflag:s24] =	ssyncadd.s32 @!p0 $0xFFFF8940  }
0x42: {  	[tilespmem:s28], [sflag:$0x1] =	stream.indirect.gather @!p0 [hbm4b:s3+s26], $0x130, s25, s26, $0xb8;
	[tilespmem:$0x1F700] =	vst v63  }
0x43: {  	s24 =	simm.s32 @!p0 $0x1F8;
	s25 =	simm.s32 @!p0 $0x5760  }
0x44: {  	[tilespmem:s25], [sflag:$0x1] =	stream.indirect.gather @!p0 [hbm4b:s3+s26], $0x130, s24, s26, $0xb8;
	[tilespmem:$0x1F700] =	vst v63  }
0x45: {  	_ =	swait.ge [sflag:s18], $0x3B60  }
0x46: {  	[sflag:s18] =	ssyncset.done $0x0  }
0x47: {  	p6 =	por $0x0, $0x0;
	s28 =	sadd.s32 $0x2C88, s6;
	[sflag:s18] =	ssyncadd.s32 $0xFFFFC4A0  }
0x48: {  	s25 =	simm.s32 $0x700;
	s26 =	simm.s32 $0xE00;
	_ =	swait.ge [sflag:s18], $0x3B60  }
0x49: {  	p0 =	por p6, p6;
	s24 =	sadd.s32 $0x3B60, s6;
	[sflag:s18] =	ssyncset.done $0x0  }
.LBB2_2:
0x4a: {  	s30 =	simm.s32 @!p0 $0x6;
	[sflag:s18] =	ssyncadd.s32 $0xFFFFC4A0  }
0x4b: {  	[hbm4b:s28+s2] =	stream.linear.scatter [tilespmem:s16], [sflag:$0x8], $0x76C0, $0x38;
	[tilespmem:$0x1F700] =	vst v63  }
0x4c: {  	_ =	swait.ge @!p0 [sflag:s30], $0x76C0  }
0x4d: {  	s29 =	sshra.s32 s25, $0x2;
	[sflag:s30] =	ssyncset.done @!p0 $0x0  }
0x4e: {  	s1 =	sadd.s32 $0x70, s29;
	[sflag:s30] =	ssyncadd.s32 @!p0 $0xFFFF8940  }
0x4f: {  	[tilespmem:s12], [sflag:$0x2] =	stream.indirect.gather [hbm4b:s3+s8], $0x130, s1, s8, $0xb8;
	[tilespmem:$0x1F700] =	vst v63  }
0x50: {  	s31 =	rddreg [dreg:$0x3];
	s1 =	sadd.s32 $0xA8, s29  }
0x51: {  	[tilespmem:s31], [sflag:$0x2] =	stream.indirect.gather [hbm4b:s3+s8], $0x130, s1, s8, $0xb8;
	[tilespmem:$0x1F700] =	vst v63  }
0x52: {  	_ =	swait.ge [sflag:s13], $0x3B60  }
0x53: {  	[sflag:s13] =	ssyncset.done $0x0  }
0x54: {  	[sflag:s13] =	ssyncadd.s32 $0xFFFFC4A0  }
0x55: {  	_ =	swait.ge [sflag:s13], $0x3B60  }
0x56: {  	[sflag:s13] =	ssyncset.done $0x0  }
0x57: {  	s30 =	simm.s32 @!p0 $0x7;
	[sflag:s13] =	ssyncadd.s32 $0xFFFFC4A0  }
0x58: {  	[hbm4b:s24+s2] =	stream.linear.scatter [tilespmem:s9], [sflag:$0x5], $0x76C0, $0x38;
	[tilespmem:$0x1F700] =	vst v63  }
0x59: {  	_ =	swait.ge @!p0 [sflag:s30], $0x76C0  }
0x5a: {  	[sflag:s30] =	ssyncset.done @!p0 $0x0  }
0x5b: {  	s1 =	sadd.s32 $0xE0, s29;
	[sflag:s30] =	ssyncadd.s32 @!p0 $0xFFFF8940  }
0x5c: {  	[tilespmem:s14], [sflag:$0x3] =	stream.indirect.gather [hbm4b:s3+s8], $0x130, s1, s8, $0xb8;
	[tilespmem:$0x1F700] =	vst v63  }
0x5d: {  	s31 =	rddreg [dreg:$0x4];
	s1 =	sadd.s32 $0x118, s29  }
0x5e: {  	[tilespmem:s31], [sflag:$0x3] =	stream.indirect.gather [hbm4b:s3+s8], $0x130, s1, s8, $0xb8;
	[tilespmem:$0x1F700] =	vst v63  }
0x5f: {  	_ =	swait.ge [sflag:s15], $0x3B60  }
0x60: {  	[sflag:s15] =	ssyncset.done $0x0  }
0x61: {  	[sflag:s15] =	ssyncadd.s32 $0xFFFFC4A0  }
0x62: {  	_ =	swait.ge [sflag:s15], $0x3B60  }
0x63: {  	[sflag:s15] =	ssyncset.done $0x0  }
0x64: {  	s1 =	sadd.s32 $0xED8, s24;
	s31 =	simm.s32 @!p0 $0x8;
	[sflag:s15] =	ssyncadd.s32 $0xFFFFC4A0  }
0x65: {  	[hbm4b:s1+s2] =	stream.linear.scatter [tilespmem:s12], [sflag:$0x6], $0x76C0, $0x38;
	[tilespmem:$0x1F700] =	vst v63  }
0x66: {  	_ =	swait.ge @!p0 [sflag:s31], $0x76C0  }
0x67: {  	[sflag:s31] =	ssyncset.done @!p0 $0x0  }
0x68: {  	s30 =	sadd.s32 $0x150, s29;
	[sflag:s31] =	ssyncadd.s32 @!p0 $0xFFFF8940  }
0x69: {  	[tilespmem:s16], [sflag:$0x4] =	stream.indirect.gather [hbm4b:s3+s8], $0x130, s30, s8, $0xb8;
	[tilespmem:$0x1F700] =	vst v63  }
0x6a: {  	s29 =	sadd.s32 $0x188, s29;
	s1 =	rddreg [dreg:$0x5]  }
0x6b: {  	[tilespmem:s1], [sflag:$0x4] =	stream.indirect.gather [hbm4b:s3+s8], $0x130, s29, s8, $0xb8;
	[tilespmem:$0x1F700] =	vst v63  }
0x6c: {  	_ =	swait.ge [sflag:s17], $0x3B60  }
0x6d: {  	[sflag:s17] =	ssyncset.done $0x0  }
0x6e: {  	[sflag:s17] =	ssyncadd.s32 $0xFFFFC4A0  }
0x6f: {  	p2 =	seq.s32 s26, $0x0;
	s28 =	smov.u32 s26;
	_ =	swait.ge [sflag:s17], $0x3B60  }
0x70: {  	p0 =	por p2, p2;
	p2 =	seq.s32 s25, $0x6900;
	[sflag:s17] =	ssyncset.done $0x0  }
0x71: {  	s31 =	sadd.s32 $0x1DB0, s24;
	s29 =	simm.s32 @!p2 $0x5;
	[sflag:s17] =	ssyncadd.s32 $0xFFFFC4A0  }
0x72: {  	[hbm4b:s31+s2] =	stream.linear.scatter [tilespmem:s14], [sflag:$0x7], $0x76C0, $0x38;
	[tilespmem:$0x1F700] =	vst v63  }
0x73: {  	s26 =	sadd.s32 $0x700, s26;
	s30 =	sshra.s32 @!p2 s25, $0x2;
	_ =	swait.ge @!p2 [sflag:s29], $0x76C0  }
0x74: {  	s25 =	smov.u32 s28;
	s28 =	sadd.s32 @!p2 $0x1C0, s30;
	[sflag:s29] =	ssyncset.done @!p2 $0x0  }
0x75: {  	s1 =	simm.s32 @!p2 $0x1C00;
	s31 =	simm.s32 @!p2 $0x32;
	[sflag:s29] =	ssyncadd.s32 @!p2 $0xFFFF8940  }
0x76: {  	[tilespmem:s1], [sflag:$0x1] =	stream.indirect.gather @!p2 [hbm4b:s3+s31], $0x130, s28, s31, $0xb8;
	[tilespmem:$0x1F700] =	vst v63  }
0x77: {  	p1 =	sne.s32 s26, $0x7000;
	s30 =	sadd.s32 @!p2 $0x1F8, s30;
	s29 =	simm.s32 @!p2 $0x5760  }
0x78: {  	[tilespmem:s29], [sflag:$0x1] =	stream.indirect.gather @!p2 [hbm4b:s3+s31], $0x130, s30, s31, $0xb8;
	[tilespmem:$0x1F700] =	vst v63  }
.Ltmp0:
0x79: {  	_ =	swait.ge [sflag:s18], $0x3B60;
	(pc) =	sbr.rel @p1 .LBB2_2-.Ltmp0, $4  }
0x7a: {  	[sflag:s18] =	ssyncset.done $0x0  }
0x7b: {  	[sflag:s18] =	ssyncadd.s32 $0xFFFFC4A0  }
0x7c: {  	_ =	swait.ge [sflag:s18], $0x3B60  }
0x7d: {  	s28 =	sadd.s32 $0x2C88, s24;
	s24 =	sadd.s32 $0x3B60, s24;
	[sflag:s18] =	ssyncset.done $0x0  }
0x7e: {  	s1 =	simm.s32 @!p0 $0x6;
	[sflag:s18] =	ssyncadd.s32 $0xFFFFC4A0  }
0x7f: {  	[hbm4b:s28+s2] =	stream.linear.scatter [tilespmem:s16], [sflag:$0x8], $0x76C0, $0x38;
	[tilespmem:$0x1F700] =	vst v63  }
0x80: {  	_ =	swait.ge @!p0 [sflag:s1], $0x76C0  }
0x81: {  	s26 =	sshra.s32 s25, $0x2;
	[sflag:s1] =	ssyncset.done @!p0 $0x0  }
0x82: {  	s29 =	sadd.s32 $0x70, s26;
	[sflag:s1] =	ssyncadd.s32 @!p0 $0xFFFF8940  }
0x83: {  	[tilespmem:s12], [sflag:$0x2] =	stream.indirect.gather [hbm4b:s3+s8], $0x130, s29, s8, $0xb8;
	[tilespmem:$0x1F700] =	vst v63  }
0x84: {  	s31 =	sadd.s32 $0xA8, s26;
	s30 =	rddreg [dreg:$0x3]  }
0x85: {  	[tilespmem:s30], [sflag:$0x2] =	stream.indirect.gather [hbm4b:s3+s8], $0x130, s31, s8, $0xb8;
	[tilespmem:$0x1F700] =	vst v63  }
0x86: {  	_ =	swait.ge [sflag:s13], $0x3B60  }
0x87: {  	[sflag:s13] =	ssyncset.done $0x0  }
0x88: {  	[sflag:s13] =	ssyncadd.s32 $0xFFFFC4A0  }
0x89: {  	_ =	swait.ge [sflag:s13], $0x3B60  }
0x8a: {  	[sflag:s13] =	ssyncset.done $0x0  }
0x8b: {  	s1 =	simm.s32 @!p0 $0x7;
	[sflag:s13] =	ssyncadd.s32 $0xFFFFC4A0  }
0x8c: {  	[hbm4b:s24+s2] =	stream.linear.scatter [tilespmem:s9], [sflag:$0x5], $0x76C0, $0x38;
	[tilespmem:$0x1F700] =	vst v63  }
0x8d: {  	_ =	swait.ge @!p0 [sflag:s1], $0x76C0  }
0x8e: {  	[sflag:s1] =	ssyncset.done @!p0 $0x0  }
0x8f: {  	s29 =	sadd.s32 $0xE0, s26;
	[sflag:s1] =	ssyncadd.s32 @!p0 $0xFFFF8940  }
0x90: {  	[tilespmem:s14], [sflag:$0x3] =	stream.indirect.gather [hbm4b:s3+s8], $0x130, s29, s8, $0xb8;
	[tilespmem:$0x1F700] =	vst v63  }
0x91: {  	s31 =	sadd.s32 $0x118, s26;
	s30 =	rddreg [dreg:$0x4]  }
0x92: {  	[tilespmem:s30], [sflag:$0x3] =	stream.indirect.gather [hbm4b:s3+s8], $0x130, s31, s8, $0xb8;
	[tilespmem:$0x1F700] =	vst v63  }
0x93: {  	_ =	swait.ge [sflag:s15], $0x3B60  }
0x94: {  	[sflag:s15] =	ssyncset.done $0x0  }
0x95: {  	[sflag:s15] =	ssyncadd.s32 $0xFFFFC4A0  }
0x96: {  	_ =	swait.ge [sflag:s15], $0x3B60  }
0x97: {  	[sflag:s15] =	ssyncset.done $0x0  }
0x98: {  	s28 =	simm.s32 @!p0 $0x8;
	s29 =	sadd.s32 $0xED8, s24;
	[sflag:s15] =	ssyncadd.s32 $0xFFFFC4A0  }
0x99: {  	[hbm4b:s29+s2] =	stream.linear.scatter [tilespmem:s12], [sflag:$0x6], $0x76C0, $0x38;
	[tilespmem:$0x1F700] =	vst v63  }
0x9a: {  	_ =	swait.ge @!p0 [sflag:s28], $0x76C0  }
0x9b: {  	[sflag:s28] =	ssyncset.done @!p0 $0x0  }
0x9c: {  	s30 =	sadd.s32 $0x150, s26;
	[sflag:s28] =	ssyncadd.s32 @!p0 $0xFFFF8940  }
0x9d: {  	[tilespmem:s16], [sflag:$0x4] =	stream.indirect.gather [hbm4b:s3+s8], $0x130, s30, s8, $0xb8;
	[tilespmem:$0x1F700] =	vst v63  }
0x9e: {  	s29 =	sadd.s32 $0x188, s26;
	s31 =	rddreg [dreg:$0x5]  }
0x9f: {  	[tilespmem:s31], [sflag:$0x4] =	stream.indirect.gather [hbm4b:s3+s8], $0x130, s29, s8, $0xb8;
	[tilespmem:$0x1F700] =	vst v63  }
0xa0: {  	_ =	swait.ge [sflag:s17], $0x3B60  }
0xa1: {  	[sflag:s17] =	ssyncset.done $0x0  }
0xa2: {  	[sflag:s17] =	ssyncadd.s32 $0xFFFFC4A0  }
0xa3: {  	_ =	swait.ge [sflag:s17], $0x3B60  }
0xa4: {  	p0 =	seq.s32 s25, $0x6900;
	[sflag:s17] =	ssyncset.done $0x0  }
0xa5: {  	s30 =	sadd.s32 $0x1DB0, s24;
	s1 =	simm.s32 @!p0 $0x5;
	[sflag:s17] =	ssyncadd.s32 $0xFFFFC4A0  }
0xa6: {  	[hbm4b:s30+s2] =	stream.linear.scatter [tilespmem:s14], [sflag:$0x7], $0x76C0, $0x38;
	[tilespmem:$0x1F700] =	vst v63  }
0xa7: {  	_ =	swait.ge @!p0 [sflag:s1], $0x76C0  }
0xa8: {  	s25 =	sshra.s32 @!p0 s25, $0x2;
	s28 =	simm.s32 @!p0 $0x32;
	[sflag:s1] =	ssyncset.done @!p0 $0x0  }
0xa9: {  	s26 =	sadd.s32 @!p0 $0x1C0, s25;
	s29 =	simm.s32 @!p0 $0x1C00;
	[sflag:s1] =	ssyncadd.s32 @!p0 $0xFFFF8940  }
0xaa: {  	[tilespmem:s29], [sflag:$0x1] =	stream.indirect.gather @!p0 [hbm4b:s3+s28], $0x130, s26, s28, $0xb8;
	[tilespmem:$0x1F700] =	vst v63  }
0xab: {  	s1 =	sadd.s32 @!p0 $0x1F8, s25;
	s25 =	simm.s32 @!p0 $0x5760  }
0xac: {  	[tilespmem:s25], [sflag:$0x1] =	stream.indirect.gather @!p0 [hbm4b:s3+s28], $0x130, s1, s28, $0xb8;
	[tilespmem:$0x1F700] =	vst v63  }
0xad: {  	_ =	swait.ge [sflag:s18], $0x3B60  }
0xae: {  	[sflag:s18] =	ssyncset.done $0x0  }
0xaf: {  	[sflag:s18] =	ssyncadd.s32 $0xFFFFC4A0  }
0xb0: {  	_ =	swait.ge [sflag:s18], $0x3B60  }
0xb1: {  	[sflag:s18] =	ssyncset.done $0x0  }
0xb2: {  	s31 =	sadd.s32 $0x2C88, s24;
	[sflag:s18] =	ssyncadd.s32 $0xFFFFC4A0  }
0xb3: {  	[hbm4b:s31+s2] =	stream.linear.scatter [tilespmem:s16], [sflag:$0x8], $0x76C0, $0x38;
	[tilespmem:$0x1F700] =	vst v63  }
0xb4: {  	_ =	swait.ge [sflag:s19], $0x76C0  }
0xb5: {  	[sflag:s19] =	ssyncset.done $0x0  }
0xb6: {  	[sflag:s19] =	ssyncadd.s32 $0xFFFF8940  }
0xb7: {  	_ =	swait.ge [sflag:s20], $0x76C0  }
0xb8: {  	[sflag:s20] =	ssyncset.done $0x0  }
0xb9: {  	s23 =	sadd.s32 $0x1, s23;
	[sflag:s20] =	ssyncadd.s32 $0xFFFF8940  }
0xba: {  	p0 =	sne.s32 s23, s5;
	_ =	swait.ge [sflag:s21], $0x76C0  }
.Ltmp1:
0xbb: {  	[sflag:s21] =	ssyncset.done $0x0;
	(pc) =	sbr.rel @p0 .LBB2_1-.Ltmp1, $4  }
0xbc: {  	[sflag:s21] =	ssyncadd.s32 $0xFFFF8940  }
0xbd: {  	_ =	swait.ge [sflag:s22], $0x76C0  }
0xbe: {  	[sflag:s22] =	ssyncset.done $0x0  }
0xbf: {  	[sflag:s22] =	ssyncadd.s32 $0xFFFF8940  }
0xc0: {  	_ =	sfence.sel $0x180000  }
0xc1: {  	[bflag:$0x0] =	sbarrier.arrive $0xFFFF  }
0xc2: {  	_ =	strace $0x90000047  }
0xc3: {  	[bflag:$0x2] =	sbarrier.arrive $0xFFFF  }
0xc4: {  	p0 =	sne.s32 s0, $0x0;
	s0 =	rddreg [dreg:$0x2]  }
0xc5: {  	s0 =	sadd.s32 @!p0 $0x100000, s0  }
0xc6: {  	[sflag:s0] =	ssyncadd.tile.s32 @!p0 $0x1;
	_ =	shalt  }
.Lfunc_end2:
_tile_overlayer_lowered:
.L_overlay_start_2:
0xc7: {  	(tag) =	ssettag $0x2  }
0xc8: {  	s0 =	rddreg [dreg:$0x0];
	s2 =	stileid.u32  }
0xc9: {  	s1 =	rddreg [dreg:$0x1];
	p0 =	sne.s32 s2, $0x0  }
0xca: {  	s3 =	rddreg [dreg:$0x2];
	[bflag:$0x3] =	sbarrier.arrive $0xFFFF;
	s2 =	simm.s32 @!p0 $0x1C09  }
0xcb: {  	[timem:s3], [sflag:s2] =	dma.local @!p0 [hbm:s0], s1  }
0xcc: {  	s0 =	simm.s32 @!p0 $0x9  }
0xcd: {  	_ =	swait.ge @!p0 [sflag:s0], s1  }
0xce: {  	s1 =	ssub.s32 @!p0 $0x0, s1;
	[sflag:s0] =	ssyncset.done @!p0 $0x0  }
0xcf: {  	[sflag:s0] =	ssyncadd.s32 @!p0 s1  }
0xd0: {  	[bflag:$0x3] =	sbarrier.arrive $0xFFFF  }
0xd1: {  	_ =	shalt  }

// kernel: sparse-core-data-format-call.cloned.1.call-start
scs
called_computation_lowered:
.L_overlay_start_0:
0x0: {  	s2 =	sld [smem:$0x3FD9]  }
0x1: {  	s3 =	sld [smem:$0x3FFE];
	_ =	sdelay $0x1  }
0x2: {  	s1 =	srdreg.scid  }
0x3: {  	s0 =	sand.u32 $0x1, s1  }
0x4: {  	s18 =	sshll.u32 s0, $0xA;
	s2 =	sadd.s32 s3, s2  }
0x5: {  	s2 =	sadd.s32 s2, s18  }
0x6: {  	[smem:$0x3FC6] =	sst s2  }
0x7: {  	_ = 	snop  }
0x8: {  	s2 =	sld [smem:$0x3FD0];
	(tm) =	ssettm $0x1  }
0x9: {  	s19 =	sld [smem:$0x3FFB];
	_ =	sdelay $0x3  }
0xa: {  	_ =	strace s19  }
0xb: {  	s3 =	sld [smem:$0x3FFC];
	_ =	sdelay $0x3  }
0xc: {  	_ =	strace s3  }
0xd: {  	s3 =	sld [smem:$0x3FFD];
	_ =	sdelay $0x3  }
0xe: {  	_ =	strace s3  }
0xf: {  	_ =	strace $0x8FFFFFFF  }
0x10: {  	s20 =	sld [smem:$0x3FDB];
	_ =	sdelay $0x1  }
0x11: {  	s4 =	simm.s32 $_scs_section_size  }
0x12: {  	s5 =	simm.s32 $_size__tile_overlayer_lowered;
	s6 =	simm.s32 $_tile_overlayer_lowered  }
0x13: {  	s23 =	simm.s32 $0x1BFF;
	s22 =	sshll.u32 s6, $0x1;
	s3 =	sadd.s32 s4, s20  }
0x14: {  	s7 =	simm.s32 $0x0;
	s21 =	sshll.u32 s5, $0x1;
	s5 =	sadd.s32 s22, s3  }
0x15: {  	[timem:s7], [sflag:s23] =	dma.local [hbm:s5], s21  }
0x16: {  	_ =	swait.ge [sflag:s23], s21  }
0x17: {  	s4 =	ssub.s32 $0x0, s21;
	[sflag:s23] =	ssyncset.done $0x0  }
0x18: {  	[sflag:s23] =	ssyncadd.s32 s4;
	_ =	sdelay $0x1  }
0x19: {  	s24 =	simm.s32 $0x1B8B  }
0x1a: {  	_ =	swait.ge [sflag:s24], $0x1  }
0x1b: {  	[sflag:s24] =	ssyncset.done $0x0  }
0x1c: {  	s26 =	simm.s32 $0x1B8E;
	s25 =	sld [smem:$0x3FFE];
	[sflag:s24] =	ssyncadd.s32 $0xFFFFFFFF  }
0x1d: {  	s27 =	simm.s32 $execute0_lowered;
	[smem:$0x3FD2] =	sst s26  }
0x1e: {  	s5 =	sshll.u32 s27, $0x1;
	_ =	strace $0x80000049;
	[dreg:$0x1] =	wrdreg $0xFFFFFFFF  }
0x1f: {  	s28 =	simm.s32 $_size_execute0_lowered;
	s3 =	sadd.s32 s3, s5;
	[dreg:$0x0] =	wrdreg $0x0  }
0x20: {  	s5 =	sshll.u32 s28, $0x1;
	[dreg:$0x2] =	wrdreg s3  }
0x21: {  	[dreg:$0x3] =	wrdreg s5  }
0x22: {  	[dreg:$0x4] =	wrdreg $0xC0  }
0x23: {  	_ =	task [dreg:s7], $0x5FFFF  }
0x24: {  	[dreg:$0x1] =	wrdreg $0xFFFFFFFF  }
0x25: {  	[dreg:$0x0] =	wrdreg $0x60  }
0x26: {  	[dreg:$0x2] =	wrdreg s25  }
0x27: {  	[dreg:$0x3] =	wrdreg s2  }
0x28: {  	[dreg:$0x4] =	wrdreg $0x9  }
0x29: {  	_ =	task.clear_ibuf [dreg:s7], $0x5FFFF;
	_ =	strace $0x90000049  }
0x2a: {  	s29 =	simm.s32 $0x9;
	_ =	strace $0x8000004B  }
0x2b: {  	_ =	swait.ge [sflag:s29], $0x1  }
0x2c: {  	[sflag:s29] =	ssyncadd.s32 $0xFFFFFFFF  }
0x2d: {  	_ =	strace $0x9000004B  }
0x2e: {  	_ =	sfence  }
0x2f: {  	s30 =	sld [smem:$0x0];
	_ =	sdelay $0x2  }
0x30: {  	s31 =	sshll.u32 s1, $0xD;
	s1 =	sshrl.u32 s1, $0x2  }
0x31: {  	s3 =	sand.u32 $0x4000, s31;
	s1 =	sadd.s32 s1, s30  }
0x32: {  	s0 =	sor.u32 s3, s0;
	s1 =	sshll.u32 s1, $0x11  }
0x33: {  	s0 =	sor.u32 s1, s0  }
0x34: {  	s0 =	sadd.s32 $0x8F2B, s0  }
0x35: {  	[sflag:s0] =	ssyncadd.remote.s32 $0x1  }
0x36: {  	_ =	sfence.sel $0xFFFF  }
0x37: {  	[dreg:$0x0] =	wrdreg $0xFFFFFFFF;
	(pc) =	sbr.abs _section_cstart, $3  }
0x38: {  	[dreg:$0x1] =	wrdreg $0xFFFFFFFF  }
0x39: {  	_ =	task.clear_ibuf [dreg:s7], $0x2FFFF;
	_ =	strace $0x9FFFFFFF  }
0x3a: {  	(tm) =	ssettm $0x7FFFFFFF  }
0x3b: {  	_ =	shalt  }
tec
execute0_lowered:
.L_overlay_start_1:
0x0: {  	(tag) =	ssettag $0x1  }
0x1: {  	s0 =	srdreg.scid;
	s6 =	rddreg [dreg:$0x0]  }
0x2: {  	s3 =	rddreg [dreg:$0x1];
	s1 =	sshll.u32 s0, $0x4  }
0x3: {  	s5 =	simm.s32 $0x1;
	s0 =	stileid.u32;
	s1 =	sand.u32 $0x10, s1  }
0x4: {  	s31 =	simm.s32 $0x2;
	s16 =	simm.s32 $0x0;
	s1 =	sor.u32 s0, s1  }
0x5: {  	s8 =	simm.s32 $0x8000;
	s18 =	simm.s32 $0x0;
	s2 =	sshll.u32 s1, $0x7  }
0x6: {  	s17 =	simm.s32 $0x0;
	s9 =	simm.s32 $0x0;
	s4 =	ssub.s32 $0x1000, s2  }
0x7: {  	s10 =	simm.s32 $0x0;
	s11 =	simm.s32 $0x0;
	s30 =	sand.u32 $0xF80, s4  }
0x8: {  	s12 =	simm.s32 $0x0;
	s13 =	simm.s32 $0x0;
	p0 =	sne.s32 s30, $0x0  }
.Ltmp0:
0x9: {  	s7 =	sshrl.u32 s4, $0xC;
	s5 =	simm.s32 @!p0 $0x0;
	(pc) =	sbr.rel .LBB1_1-.Ltmp0, $4  }
0xa: {  	s15 =	simm.s32 $0x0;
	s1 =	rddreg [dreg:$0x2];
	s5 =	sadd.s32 s5, s7  }
0xb: {  	_ =	strace $0x8000004A;
	s4 =	simm.s32 $0x1;
	s5 =	smul.u32 $0x96, s5  }
0xc: {  	s6 =	sadd.s32 $0x800, s6;
	s14 =	smov.u32 s2;
	[sflag:s4] =	ssyncpa.u1 $0x0  }
0xd: {  	[sflag:s31] =	ssyncpa.u1 $0x0;
	p0 =	por $0x0, $0x0;
	s7 =	sor.u32 $0x1, s5  }
.LBB1_4:
0xe: {  	s23 =	sshra.s32 s23, $0x2;
	s30 =	sshll.u32 s9, $0xC  }
0xf: {  	p1 =	sgt.s32 s10, $0x31;
	s24 =	smov.u32 s10;
	s25 =	sshra.s32 s10, $0x1F  }
0x10: {  	s26 =	sshll.u32 s11, $0x3;
	s28 =	smov.u32 s11;
	s29 =	sshra.s32 s11, $0x1F  }
0x11: {  	s22 =	sadd.s32 s23, s22;
	s24 =	simm.s32 @!p1 $0x31;
	s25 =	sand.u32 s25, s10  }
0x12: {  	s23 =	sand.u32 $0xFFFF8000, s30;
	s27 =	sand.u32 $0xFFFFFC00, s26;
	p1 =	sgt.s32 s9, $0xB0  }
0x13: {  	s31 =	sand.u32 s29, s11;
	s29 =	sshll.u32 s9, $0x7;
	s30 =	sshra.s32 s9, $0x1F  }
0x14: {  	[tilespmem:s21+$0x2040 ss:$0x81] =	vst.msk $0xffff, v4;
	s24 =	ssub.s32 s24, s25;
	s23 =	sadd.s32 s27, s23;
	s27 =	smov.u32 s9  }
0x15: {  	[tilespmem:s21+$0x2850 ss:$0x81] =	vst.msk $0xffff, v3;
	s29 =	sand.u32 $0x380, s29;
	s25 =	sadd.s32 $0xFFFFFFCF, s24;
	s27 =	simm.s32 @!p1 $0xB0  }
0x16: {  	v5 =	vld [tilespmem:s20+$0xFFFFFFD0];
	[tilespmem:s21+$0x3060 ss:$0x81] =	vst.msk $0xffff, v2;
	p1 =	sgt.s32 s11, $0xF80;
	s23 =	sshrl.u32 s23, $0xC;
	s24 =	ssub.s32 $0x32, s24  }
0x17: {  	v58 =	vld [tilespmem:s20+$0xFFFFFFE0];
	[tilespmem:s21+$0x0 ss:$0x81] =	vst.msk $0xffff, v1;
	s28 =	simm.s32 @!p1 $0xF80;
	p1 =	sgt.s32 s25, $0x0;
	s21 =	smulhi.u32 $0xD79436, s23  }
0x18: {  	v59 =	vld [tilespmem:s20+$0xFFFFFFF0];
	s25 =	ssub.s32 s28, s31;
	s28 =	sand.u32 s30, s9;
	s24 =	simm.s32 @p1 $0x0  }
0x19: {  	v60 =	vld [tilespmem:s20+$0x0];
	s27 =	ssub.s32 s27, s28;
	s31 =	sadd.s32 $0xFFFFF080, s25;
	s25 =	ssub.s32 $0x1000, s25  }
0x1a: {  	v61 =	vld [tilespmem:s20+$0x10];
	[tilespmem:s22+$0x3870 ss:$0x81] =	vst.msk $0xffff, v0;
	s21 =	smul.u32 $0x130, s21;
	s28 =	sand.u32 $0x7, s11;
	p1 =	sgt.s32 s31, $0x7F  }
0x1b: {  	v62 =	vld [tilespmem:s20+$0x20];
	[tilespmem:s22+$0x810 ss:$0x81] =	vst.msk $0xffff, v5;
	s30 =	sadd.s32 $0xFFFFFF50, s27;
	s31 =	sand.u32 $0x78, s11;
	s25 =	simm.s32 @p1 $0x0  }
0x1c: {  	v63 =	vld [tilespmem:s20+$0xFFFFFFC0];
	[tilespmem:s22+$0x1020 ss:$0x81] =	vst.msk $0xffff, v58;
	p1 =	sgt.s32 s30, $0x7F;
	s30 =	sand.u32 $0xC00, s26;
	s24 =	smul.u32 s25, s24  }
0x1d: {  	[tilespmem:s22+$0x1830 ss:$0x81] =	vst.msk $0xffff, v59;
	s26 =	ssub.s32 $0x130, s27;
	s20 =	sor.u32 s31, s30;
	s31 =	smul.u32 $0x26000, s10  }
0x1e: {  	[tilespmem:s22+$0x2040 ss:$0x81] =	vst.msk $0xffff, v60;
	s21 =	ssub.s32 s23, s21;
	s26 =	simm.s32 @p1 $0x0;
	s20 =	sor.u32 s29, s20  }
0x1f: {  	[tilespmem:s22+$0x2850 ss:$0x81] =	vst.msk $0xffff, v61;
	s26 =	smul.u32 s26, s24;
	s20 =	sshrl.u32 s20, $0x3;
	s27 =	sadd.s32 s3, s31  }
0x20: {  	[tilespmem:s22+$0x3060 ss:$0x81] =	vst.msk $0xffff, v62;
	s21 =	sshll.u32 s21, $0x9;
	s29 =	sshll.u32 s28, $0x12;
	s20 =	sadd.s32 s20, s27  }
0x21: {  	[tilespmem:s22+$0x0 ss:$0x81] =	vst.msk $0xffff, v63;
	s31 =	sor.u32 $0x400, s29;
	s30 =	sand.u32 $0x3FFFFFFF, s26;
	s20 =	sadd.s32 s21, s20  }
0x22: {  	[hbm4b:s20+s31] =	stream.strided.scatter [tilespmem:s19], [sflag:$0x2], s30, s8, s31, $0x20;
	[tilespmem:$0x10100] =	vst v63  }
.LBB1_5:
0x23: {  	p1 =	slt.u32 s15, $0x2  }
0x24: {  	p2 =	sgt.s32 @!p1 s18, $0x31  }
0x25: {  	s19 =	smov.u32 s18;
	s20 =	sshra.s32 @!p1 s18, $0x1F;
	p2 =	por !p2, p1  }
0x26: {  	s18 =	sand.u32 @!p1 s20, s18;
	s19 =	simm.s32 @p2 $0x31  }
0x27: {  	p3 =	sgt.s32 @!p1 s16, $0xB0;
	s18 =	ssub.s32 @!p1 s19, s18  }
0x28: {  	p4 =	sgt.s32 @!p1 s17, $0xF80;
	s21 =	sshra.s32 @!p1 s17, $0x1F;
	s19 =	sadd.s32 @!p1 $0xFFFFFFCF, s18  }
0x29: {  	s20 =	smov.u32 s16;
	p2 =	sgt.s32 @!p1 s19, $0x0;
	s19 =	sshra.s32 @!p1 s16, $0x1F  }
0x2a: {  	p4 =	por !p4, p1;
	s16 =	sand.u32 @!p1 s19, s16;
	s19 =	smov.u32 s17  }
0x2b: {  	p3 =	por !p3, p1;
	s17 =	sand.u32 @!p1 s21, s17;
	s19 =	simm.s32 @p4 $0xF80  }
0x2c: {  	s20 =	simm.s32 @p3 $0xB0;
	s18 =	ssub.s32 @!p1 $0x32, s18;
	s17 =	ssub.s32 @!p1 s19, s17  }
0x2d: {  	p2 =	por !p2, p1;
	s16 =	ssub.s32 @!p1 s20, s16;
	s20 =	sadd.s32 @!p1 $0xFFFFF080, s17  }
0x2e: {  	s18 =	simm.s32 @!p2 $0x0;
	p3 =	sgt.s32 @!p1 s20, $0x7F  }
0x2f: {  	s19 =	sadd.s32 @!p1 $0xFFFFFF50, s16;
	s17 =	ssub.s32 @!p1 $0x1000, s17;
	p3 =	por !p3, p1  }
0x30: {  	p2 =	sgt.s32 @!p1 s19, $0x7F;
	s19 =	sadd.s32 $0x80, s12;
	s17 =	simm.s32 @!p3 $0x0  }
0x31: {  	p3 =	sgt.s32 s19, $0x12B;
	s17 =	smul.u32 @!p1 s17, s18;
	s18 =	simm.s32 $0x1  }
0x32: {  	s16 =	ssub.s32 @!p1 $0x130, s16;
	p2 =	por !p2, p1;
	s18 =	simm.s32 @!p3 $0x0  }
0x33: {  	s21 =	smov.u32 s14;
	s16 =	simm.s32 @!p2 $0x0;
	s20 =	sadd.s32 s18, s13  }
0x34: {  	s16 =	smul.u32 @!p1 s16, s17;
	s17 =	sadd.s32 $0x1000, s14;
	p2 =	sgt.s32 s20, $0x31  }
0x35: {  	p0 =	por !p0, !p0;
	s22 =	simm.s32 @!p1 $0x2;
	s21 =	smov.u32 @p2 s17  }
0x36: {  	s19 =	simm.s32 @p3 $0x0;
	s20 =	simm.s32 @p2 $0x0;
	p2 =	sgt.s32 s21, $0xFFF  }
0x37: {  	s18 =	smov.u32 s10;
	s21 =	smov.u32 @p2 s2;
	p2 =	sne.s32 s15, s7  }
.Ltmp1:
0x38: {  	s10 =	smov.u32 s13;
	s16 =	sand.u32 @!p1 $0x3FFFFFFF, s16;
	(pc) =	sbr.rel @!p2 .LBB1_6-.Ltmp1, $4  }
0x39: {  	s17 =	smov.u32 s11;
	s11 =	smov.u32 s14;
	_ =	swait.ge @!p1 [sflag:s22], s16  }
0x3a: {  	s23 =	ssub.s32 @!p1 $0x0, s16;
	s16 =	smov.u32 s9;
	s9 =	smov.u32 s12  }
0x3b: {  	s12 =	smov.u32 s19;
	s13 =	smov.u32 s20;
	[sflag:s22] =	ssyncset.done @!p1 $0x0  }
0x3c: {  	s15 =	sadd.s32 $0x1, s15;
	[sflag:s22] =	ssyncadd.s32 @!p1 s23;
	s14 =	smov.u32 s21  }
.LBB1_1:
0x3d: {  	p1 =	sge.u32 s15, s5  }
0x3e: {  	s19 =	sshrl.u32 @!p1 s13, $0x3  }
0x3f: {  	s20 =	sshll.u32 @!p1 s12, $0x3;
	s19 =	smul.u32 @!p1 $0xC00, s19  }
0x40: {  	s21 =	sshll.u32 @!p1 s13, $0x7;
	s20 =	sand.u32 @!p1 $0xFFFFFC00, s20  }
0x41: {  	s19 =	sadd.s32 @!p1 s19, s20;
	s20 =	sand.u32 @!p1 $0x380, s21  }
0x42: {  	s19 =	sor.u32 @!p1 s20, s19  }
0x43: {  	s20 =	sand.u32 @!p1 $0x7F, s12;
	s21 =	smulhi.u32 @!p1 $0xAAAAAAAB, s19  }
0x44: {  	s19 =	sor.u32 @!p1 s20, s19  }
0x45: {  	s20 =	smulhi.u32 @!p1 $0xAAAAAAAB, s19;
	s21 =	sshrl.u32 @!p1 s21, $0x8  }
0x46: {  	s22 =	smulhi.u32 @!p1 $0x4924925, s21;
	_ =	sdelay $0x1  }
0x47: {  	s20 =	sshrl.u32 @!p1 s20, $0x8;
	s22 =	smul.u32 @!p1 $0x38, s22  }
0x48: {  	s31 =	sadd.s32 $0xFFFFFFFF, s15;
	s20 =	smul.u32 @!p1 $0x180, s20  }
0x49: {  	s23 =	sxor.u32 @!p1 $0xFFFFFFFF, s15;
	s21 =	ssub.s32 @!p1 s21, s22;
	s22 =	smul.u32 @!p1 $0xA80, s14  }
0x4a: {  	s23 =	sshll.u32 @!p1 s23, $0xE;
	s19 =	ssub.s32 @!p1 s19, s20;
	s20 =	smul.u32 @!p1 $0x30, s21  }
0x4b: {  	s21 =	sand.u32 @!p1 $0x4000, s23;
	s23 =	sand.u32 @!p1 $0x7, s19;
	s22 =	sadd.s32 @!p1 s6, s22  }
0x4c: {  	s19 =	sshrl.u32 @!p1 s19, $0x3;
	s20 =	sadd.s32 @!p1 s20, s22;
	s22 =	sshll.u32 @!p1 s23, $0x12  }
0x4d: {  	s19 =	sadd.s32 @!p1 s19, s20;
	s20 =	sor.u32 @!p1 $0x80, s22;
	s22 =	simm.s32 @!p1 $0x5400  }
0x4e: {  	[tilespmem:s21], [sflag:$0x1] =	stream.strided.gather @!p1 [hbm4b:s19+s20], $0x4000, s22, s20, $0x38;
	[tilespmem:$0x10100] =	vst v63  }
0x4f: {  	p1 =	sge.u32 s31, s5  }
.Ltmp2:
0x50: {  	_ = 	snop;
	(pc) =	sbr.rel @p1 .LBB1_5-.Ltmp2, $1  }
0x51: {  	_ =	sdelay $0x3  }
0x52: {  	s19 =	simm.s32 $0x1  }
0x53: {  	_ =	swait.ge [sflag:s4], $0x4000;
	s19 =	simm.s32 @!p0 $0x0  }
0x54: {  	[sflag:s4] =	ssyncset.done $0x0;
	s20 =	sshll.u32 s19, $0xE  }
0x55: {  	[sflag:s4] =	ssyncadd.s32 $0xFFFFC000;
	s20 =	sor.u32 $0x40, s20  }
0x56: {  	s19 =	smul.u32 $0x10200, s19;
	v0 =	vld [tilespmem:s20+$0x30]  }
0x57: {  	v1 =	vld [tilespmem:s20+$0xFFFFFFD0]  }
0x58: {  	s19 =	sshrl.u32 s19, $0x2;
	v5 =	vld [tilespmem:s20+$0xFFFFFFE0]  }
0x59: {  	v6 =	vld [tilespmem:s20+$0xFFFFFFF0];
	s22 =	sor.u32 $0x8000, s19  }
0x5a: {  	s31 =	sand.u32 $0x1, s15;
	v4 =	vld [tilespmem:s20+$0x0];
	s21 =	sadd.s32 $0x0, s22  }
0x5b: {  	v3 =	vld [tilespmem:s20+$0x10];
	s19 =	smul.u32 $0x10200, s31;
	[tilespmem:s21+$0x3870 ss:$0x81] =	vst.msk $0xffff, v0  }
0x5c: {  	v2 =	vld [tilespmem:s20+$0x20];
	[tilespmem:s21+$0x810 ss:$0x81] =	vst.msk $0xffff, v1  }
0x5d: {  	s19 =	sshrl.u32 s19, $0x2;
	v1 =	vld [tilespmem:s20+$0xFFFFFFC0];
	[tilespmem:s21+$0x1020 ss:$0x81] =	vst.msk $0xffff, v5;
	s20 =	sadd.s32 $0x80, s20  }
0x5e: {  	s23 =	simm.s32 $0x4;
	s24 =	simm.s32 $0x8;
	s19 =	sor.u32 $0x8000, s19;
	[tilespmem:s21+$0x1830 ss:$0x81] =	vst.msk $0xffff, v6;
	v0 =	vld [tilespmem:s20+$0x30]  }
.LBB1_3:
0x5f: {  	p1 =	sne.s32 s24, $0x1FC;
	v5 =	vld [tilespmem:s20+$0xFFFFFFD0];
	[tilespmem:s21+$0x2040 ss:$0x81] =	vst.msk $0xffff, v4  }
0x60: {  	v6 =	vld [tilespmem:s20+$0xFFFFFFE0];
	[tilespmem:s21+$0x2850 ss:$0x81] =	vst.msk $0xffff, v3  }
0x61: {  	s25 =	sshra.s32 s23, $0x2;
	s23 =	smov.u32 s24;
	v7 =	vld [tilespmem:s20+$0xFFFFFFF0];
	[tilespmem:s21+$0x3060 ss:$0x81] =	vst.msk $0xffff, v2  }
.Ltmp3:
0x62: {  	v4 =	vld [tilespmem:s20+$0x0];
	[tilespmem:s21+$0x0 ss:$0x81] =	vst.msk $0xffff, v1;
	s21 =	sadd.s32 s25, s22;
	(pc) =	sbr.rel @p1 .LBB1_3-.Ltmp3, $4  }
0x63: {  	v3 =	vld [tilespmem:s20+$0x10];
	[tilespmem:s21+$0x3870 ss:$0x81] =	vst.msk $0xffff, v0  }
0x64: {  	[tilespmem:s21+$0x810 ss:$0x81] =	vst.msk $0xffff, v5;
	v2 =	vld [tilespmem:s20+$0x20]  }
0x65: {  	v1 =	vld [tilespmem:s20+$0xFFFFFFC0];
	[tilespmem:s21+$0x1020 ss:$0x81] =	vst.msk $0xffff, v6;
	s20 =	sadd.s32 $0x80, s20  }
0x66: {  	s24 =	sadd.s32 $0x4, s24;
	v0 =	vld [tilespmem:s20+$0x30];
	[tilespmem:s21+$0x1830 ss:$0x81] =	vst.msk $0xffff, v7  }
.Ltmp4:
0x67: {  	_ = 	snop;
	(pc) =	sbr.rel .LBB1_4-.Ltmp4, $1  }
0x68: {  	_ =	sdelay $0x3  }
.LBB1_6:
0x69: {  	_ =	sfence.sel $0x180000  }
0x6a: {  	s2 =	simm.s32 $0x1;
	[bflag:$0x0] =	sbarrier.arrive $0xFFFF  }
0x6b: {  	s31 =	simm.s32 $0x2;
	[sflag:s2] =	ssyncpa.u1 $0x1  }
0x6c: {  	[sflag:s31] =	ssyncpa.u1 $0x1  }
0x6d: {  	p0 =	sne.s32 s0, $0x0;
	_ =	strace $0x9000004A  }
0x6e: {  	s0 =	sadd.s32 @!p0 $0x100000, s1;
	[bflag:$0x2] =	sbarrier.arrive $0xFFFF  }
0x6f: {  	[sflag:s0] =	ssyncadd.tile.s32 @!p0 $0x1;
	_ =	shalt  }
.Lfunc_end1:
_tile_overlayer_lowered:
.L_overlay_start_2:
0x70: {  	(tag) =	ssettag $0x2  }
0x71: {  	s0 =	rddreg [dreg:$0x0];
	s2 =	stileid.u32  }
0x72: {  	s1 =	rddreg [dreg:$0x1];
	p0 =	sne.s32 s2, $0x0  }
0x73: {  	s3 =	rddreg [dreg:$0x2];
	[bflag:$0x3] =	sbarrier.arrive $0xFFFF;
	s2 =	simm.s32 @!p0 $0x1C01  }
0x74: {  	[timem:s3], [sflag:s2] =	dma.local @!p0 [hbm:s0], s1  }
0x75: {  	s0 =	simm.s32 @!p0 $0x1  }
0x76: {  	_ =	swait.ge @!p0 [sflag:s0], s1  }
0x77: {  	s1 =	ssub.s32 @!p0 $0x0, s1;
	[sflag:s0] =	ssyncset.done @!p0 $0x0  }
0x78: {  	[sflag:s0] =	ssyncadd.s32 @!p0 s1  }
0x79: {  	[bflag:$0x3] =	sbarrier.arrive $0xFFFF  }
0x7a: {  	_ =	shalt  }

</sc_bundles>
